<compile_context>
chip_gen: v7x
topology: tpu7x:2x2x1
jax: 0.10.2.dev20260603
libtpu: 0.0.44.dev20260713+nightly
codegen_flags: <defaults>
</compile_context>

<pallas_src>
import jax
import jax.numpy as jnp
from jax import lax
from jax.experimental import pallas as pl
from jax.experimental.pallas import tpu as pltpu
from jax.experimental.pallas import tpu_sc as plsc

_B, _S, _F = 8, 1024, 256
_NC, _NS, _L = 2, 16, 16
_NW = _NC * _NS
_RPW = _B * _S // _NW
_CR = 128
_NCH = _RPW // _CR

_vector_mesh = plsc.VectorSubcoreMesh(core_axis_name="c", subcore_axis_name="s")


def _chunk_min(buf, accs):
    def row_body(r, accs):
        new = list(accs)
        for j in range(_F // _L):
            new[j % 8] = jnp.minimum(new[j % 8], buf[r, pl.ds(j * _L, _L)])
        return tuple(new)

    return lax.fori_loop(0, _CR, row_body, accs)


def _sc_min_body(x_hbm, pmin_hbm, buf0, buf1, acc, sem0, sem1, osem):
    wid = lax.axis_index("s") * _NC + lax.axis_index("c")
    b = wid // 4
    r0 = (wid % 4) * _RPW
    bufs = [buf0, buf1]
    sems = [sem0, sem1]

    pltpu.make_async_copy(x_hbm.at[b, pl.ds(r0, _CR)], buf0, sem0).start()
    accs = tuple(jnp.full((_L,), jnp.inf, jnp.float32) for _ in range(8))
    for k in range(_NCH):
        buf, sem = bufs[k % 2], sems[k % 2]
        pltpu.make_async_copy(
            x_hbm.at[b, pl.ds(r0 + k * _CR, _CR)], buf, sem
        ).wait()
        if k + 1 < _NCH:
            nbuf, nsem = bufs[(k + 1) % 2], sems[(k + 1) % 2]
            pltpu.make_async_copy(
                x_hbm.at[b, pl.ds(r0 + (k + 1) * _CR, _CR)], nbuf, nsem
            ).start()
        accs = _chunk_min(buf, accs)

    m = accs[0]
    for a in accs[1:]:
        m = jnp.minimum(m, a)
    acc[...] = m
    cp = pltpu.make_async_copy(acc, pmin_hbm.at[wid], osem)
    cp.start()
    cp.wait()


def _sc_partial_min(x):
    k = pl.kernel(
        _sc_min_body,
        out_type=jax.ShapeDtypeStruct((_NW, _L), jnp.float32),
        mesh=_vector_mesh,
        scratch_types=[
            pltpu.VMEM((_CR, _F), jnp.float32),
            pltpu.VMEM((_CR, _F), jnp.float32),
            pltpu.VMEM((_L,), jnp.float32),
            pltpu.SemaphoreType.DMA,
            pltpu.SemaphoreType.DMA,
            pltpu.SemaphoreType.DMA,
        ],
        compiler_params=pltpu.CompilerParams(use_tc_tiling_on_sc=True),
    )
    return k(x)


def _tc_copy_fill_body(pmin_vmem, in_hbm, out_hbm, stage, fillbuf, in_sems,
                       out_sems, fill_sems):
    for c in range(2):
        pltpu.make_async_copy(
            in_hbm.at[pl.ds(c * 4, 4)], stage.at[c], in_sems.at[c]
        ).start()
    minv = jnp.min(pmin_vmem[...]) - 1.0
    fillbuf[...] = jnp.full((_S, _F), minv, jnp.float32)
    for b in range(_B):
        pltpu.make_async_copy(
            fillbuf, out_hbm.at[b, _S : 2 * _S], fill_sems.at[b]
        ).start()
    for c in range(2):
        pltpu.make_async_copy(
            in_hbm.at[pl.ds(c * 4, 4)], stage.at[c], in_sems.at[c]
        ).wait()
        pltpu.make_async_copy(
            stage.at[c], out_hbm.at[pl.ds(c * 4, 4), 0:_S], out_sems.at[c]
        ).start()
    for c in range(2):
        pltpu.make_async_copy(
            stage.at[c], out_hbm.at[pl.ds(c * 4, 4), 0:_S], out_sems.at[c]
        ).wait()
    for b in range(_B):
        pltpu.make_async_copy(
            fillbuf, out_hbm.at[b, _S : 2 * _S], fill_sems.at[b]
        ).wait()


def _tc_copy_fill(pmin, inputs):
    return pl.pallas_call(
        _tc_copy_fill_body,
        in_specs=[
            pl.BlockSpec(memory_space=pltpu.MemorySpace.VMEM),
            pl.BlockSpec(memory_space=pltpu.MemorySpace.HBM),
        ],
        out_specs=pl.BlockSpec(memory_space=pltpu.MemorySpace.HBM),
        out_shape=jax.ShapeDtypeStruct((_B, 2 * _S, _F), inputs.dtype),
        scratch_shapes=[
            pltpu.VMEM((2, 4, _S, _F), jnp.float32),
            pltpu.VMEM((_S, _F), jnp.float32),
            pltpu.SemaphoreType.DMA((2,)),
            pltpu.SemaphoreType.DMA((2,)),
            pltpu.SemaphoreType.DMA((_B,)),
        ],
    )(pmin, inputs)


def kernel(inputs):
    pmin = _sc_partial_min(inputs)
    return _tc_copy_fill(pmin, inputs)

# --- scband reference (transcript-rebuilt; emitter-appended) ---
"""Pipeline reference for scband-padding-layer-64957085384838 (READ-ONLY COPY).

The authoritative reference and input builder live on the scoring server;
editing this copy changes nothing except your own understanding.
"""

import jax, jax.numpy as jnp
import numpy as np

TARGET_SHAPE = (8, 2048, 256)
CUSTOM_PADDING_VALUE = None


def setup_inputs(seed: int = 0) -> dict:
    key = jax.random.key(seed)
    inputs = jax.random.normal(key, (8, 1024, 256), dtype=jnp.float32)
    return {"inputs": inputs}


def reference(inputs):
    # PaddingLayer.call, faithful translation.
    if CUSTOM_PADDING_VALUE is None:
        min_value = jnp.min(inputs)
        padding_value = min_value - 1.0
    else:
        padding_value = jnp.asarray(CUSTOM_PADDING_VALUE, dtype=inputs.dtype)

    # inputs is a dense tensor of uniform length sequences, so
    # pad_sequences is an identity op here (all rows already max length).
    input_plus_pad = inputs

    in_shape = np.array(input_plus_pad.shape, dtype=np.int64)
    tgt = np.array(TARGET_SHAPE, dtype=np.int64)

    if np.all(tgt == in_shape):
        return input_plus_pad

    # adding_shape logic
    diff = tgt - in_shape
    cond = diff <= 0
    if np.all(cond):
        add_shape = tgt.copy()
        add_shape[-2] = 0
    else:
        add_shape = np.where(cond, tgt, diff)

    pad_block = jnp.ones(tuple(int(s) for s in add_shape), dtype=inputs.dtype) * padding_value
    return jnp.concatenate([input_plus_pad, pad_block], axis=1)

if __name__ == "__main__":
    import jax
    _d = setup_inputs()
    print(jax.jit(kernel)(*tuple(_d.values())))

</pallas_src>

<mosaic_0001>
#map = affine_map<(d0, d1) -> (0, 0, 0)>
#map1 = affine_map<(d0, d1) -> (0, 0)>
module attributes {stable_mosaic.version = 14 : i64} {
  func.func @_sc_min_body(%arg0: i32, %arg1: i32, %arg2: memref<8x1024x256xf32, #tpu.memory_space<hbm>>, %arg3: memref<32x16xf32, #tpu.memory_space<hbm>>, %arg4: memref<128x256xf32, #tpu.memory_space<vmem>>, %arg5: memref<128x256xf32, #tpu.memory_space<vmem>>, %arg6: memref<16xf32, #tpu.memory_space<vmem>>, %arg7: memref<!tpu.dma_semaphore, #tpu.memory_space<semaphore_mem>>, %arg8: memref<!tpu.dma_semaphore, #tpu.memory_space<semaphore_mem>>, %arg9: memref<!tpu.dma_semaphore, #tpu.memory_space<semaphore_mem>>) attributes {dimension_semantics = [#tpu.dimension_semantics<core_parallel>, #tpu.dimension_semantics<subcore_parallel>], iteration_bounds = array<i64: 2, 16>, scalar_prefetch = 0 : i64, scratch_operands = 6 : i64, tpu.core_type = #tpu.core_type<sc_vector_subcore>, window_params = [{transform_indices = #map}, {transform_indices = #map1}]} {
    %mul3A = arith.constant 2 : i32
    %mul3A_0 = arith.muli %arg1, %mul3A : i32
    %add3A = arith.addi %mul3A_0, %arg0 : i32
    %jit3A = arith.constant 4 : i32
    %div3A = arith.divsi %add3A, %jit3A : i32
    %sign3A = arith.constant 0 : i32
    %sign3A_1 = arith.cmpi sgt, %add3A, %sign3A : i32
    %sign3A_2 = arith.extui %sign3A_1 : i1 to i32
    %sign3A_3 = arith.constant 0 : i32
    %sign3A_4 = arith.cmpi slt, %add3A, %sign3A_3 : i32
    %sign3A_5 = arith.extui %sign3A_4 : i1 to i32
    %sign3A_6 = arith.subi %sign3A_2, %sign3A_5 : i32
    %sign3A_7 = arith.constant 0 : i32
    %sign3A_8 = arith.cmpi sgt, %jit3A, %sign3A_7 : i32
    %sign3A_9 = arith.extui %sign3A_8 : i1 to i32
    %sign3A_10 = arith.constant 0 : i32
    %sign3A_11 = arith.cmpi slt, %jit3A, %sign3A_10 : i32
    %sign3A_12 = arith.extui %sign3A_11 : i1 to i32
    %sign3A_13 = arith.subi %sign3A_9, %sign3A_12 : i32
    %ne3A = arith.cmpi ne, %sign3A_6, %sign3A_13 : i32
    %rem3A = arith.remsi %add3A, %jit3A : i32
    %ne3A_14 = arith.constant 0 : i32
    %ne3A_15 = arith.cmpi ne, %rem3A, %ne3A_14 : i32
    %and3A = arith.andi %ne3A, %ne3A_15 : i1
    %sub3A = arith.constant 1 : i32
    %sub3A_16 = arith.subi %div3A, %sub3A : i32
    %select_n3A = arith.select %and3A, %sub3A_16, %div3A : i32
    %jit3A_17 = arith.constant 4 : i32
    %eq3A = arith.constant 0 : i32
    %eq3A_18 = arith.cmpi eq, %jit3A_17, %eq3A : i32
    %jit3A_19 = arith.constant 1 : i32
    %select_n3A_20 = arith.select %eq3A_18, %jit3A_19, %jit3A_17 : i32
    %rem3A_21 = arith.remsi %add3A, %select_n3A_20 : i32
    %ne3A_22 = arith.constant 0 : i32
    %ne3A_23 = arith.cmpi ne, %rem3A_21, %ne3A_22 : i32
    %lt3A = arith.constant 0 : i32
    %lt3A_24 = arith.cmpi slt, %rem3A_21, %lt3A : i32
    %lt3A_25 = arith.constant 0 : i32
    %lt3A_26 = arith.cmpi slt, %select_n3A_20, %lt3A_25 : i32
    %ne3A_27 = arith.xori %lt3A_24, %lt3A_26 : i1
    %and3A_28 = arith.andi %ne3A_27, %ne3A_23 : i1
    %add3A_29 = arith.addi %rem3A_21, %select_n3A_20 : i32
    %select_n3A_30 = arith.select %and3A_28, %add3A_29, %rem3A_21 : i32
    %mul3A_31 = arith.constant 256 : i32
    %mul3A_32 = arith.muli %select_n3A_30, %mul3A_31 : i32
    %dma_start3A = arith.constant 0 : i32
    %dma_start3A_33 = tpu.memref_slice %arg2[%select_n3A, %mul3A_32, %dma_start3A] : memref<8x1024x256xf32, #tpu.memory_space<hbm>> -> memref<1x128x256xf32, #tpu.memory_space<hbm>>
    %dma_start3A_34 = tpu.memref_squeeze %dma_start3A_33 : memref<1x128x256xf32, #tpu.memory_space<hbm>> -> memref<128x256xf32, #tpu.memory_space<hbm>>
    %dma_start3A_35 = arith.constant 0 : i32
    %dma_start3A_36 = tpu.memref_slice %arg2[%select_n3A, %mul3A_32, %dma_start3A_35] : memref<8x1024x256xf32, #tpu.memory_space<hbm>> -> memref<1x128x256xf32, #tpu.memory_space<hbm>>
    %dma_start3A_37 = tpu.memref_squeeze %dma_start3A_36 : memref<1x128x256xf32, #tpu.memory_space<hbm>> -> memref<128x256xf32, #tpu.memory_space<hbm>>
    tpu.enqueue_dma source(%dma_start3A_37 : memref<128x256xf32, #tpu.memory_space<hbm>>) target(%arg4 : memref<128x256xf32, #tpu.memory_space<vmem>>) target_semaphore(%arg7 : memref<!tpu.dma_semaphore, #tpu.memory_space<semaphore_mem>>)
    %broadcast_in_dim3A = arith.constant 0x7F800000 : f32
    %broadcast_in_dim3A_38 = vector.broadcast %broadcast_in_dim3A : f32 to vector<16xf32>
    %broadcast_in_dim3A_39 = arith.constant 0x7F800000 : f32
    %broadcast_in_dim3A_40 = vector.broadcast %broadcast_in_dim3A_39 : f32 to vector<16xf32>
    %broadcast_in_dim3A_41 = arith.constant 0x7F800000 : f32
    %broadcast_in_dim3A_42 = vector.broadcast %broadcast_in_dim3A_41 : f32 to vector<16xf32>
    %broadcast_in_dim3A_43 = arith.constant 0x7F800000 : f32
    %broadcast_in_dim3A_44 = vector.broadcast %broadcast_in_dim3A_43 : f32 to vector<16xf32>
    %broadcast_in_dim3A_45 = arith.constant 0x7F800000 : f32
    %broadcast_in_dim3A_46 = vector.broadcast %broadcast_in_dim3A_45 : f32 to vector<16xf32>
    %broadcast_in_dim3A_47 = arith.constant 0x7F800000 : f32
    %broadcast_in_dim3A_48 = vector.broadcast %broadcast_in_dim3A_47 : f32 to vector<16xf32>
    %broadcast_in_dim3A_49 = arith.constant 0x7F800000 : f32
    %broadcast_in_dim3A_50 = vector.broadcast %broadcast_in_dim3A_49 : f32 to vector<16xf32>
    %broadcast_in_dim3A_51 = arith.constant 0x7F800000 : f32
    %broadcast_in_dim3A_52 = vector.broadcast %broadcast_in_dim3A_51 : f32 to vector<16xf32>
    %add3A_53 = arith.constant 0 : i32
    %add3A_54 = arith.addi %mul3A_32, %add3A_53 : i32
    %dma_wait3A = arith.constant 0 : i32
    %dma_wait3A_55 = tpu.memref_slice %arg2[%select_n3A, %add3A_54, %dma_wait3A] : memref<8x1024x256xf32, #tpu.memory_space<hbm>> -> memref<1x128x256xf32, #tpu.memory_space<hbm>>
    %dma_wait3A_56 = tpu.memref_squeeze %dma_wait3A_55 : memref<1x128x256xf32, #tpu.memory_space<hbm>> -> memref<128x256xf32, #tpu.memory_space<hbm>>
    %dma_wait3A_57 = arith.constant 0 : i32
    %dma_wait3A_58 = tpu.memref_slice %arg2[%select_n3A, %add3A_54, %dma_wait3A_57] : memref<8x1024x256xf32, #tpu.memory_space<hbm>> -> memref<1x128x256xf32, #tpu.memory_space<hbm>>
    %dma_wait3A_59 = tpu.memref_squeeze %dma_wait3A_58 : memref<1x128x256xf32, #tpu.memory_space<hbm>> -> memref<128x256xf32, #tpu.memory_space<hbm>>
    tpu.wait_dma2 semaphore(%arg7 : memref<!tpu.dma_semaphore, #tpu.memory_space<semaphore_mem>>) src(%dma_wait3A_59 : memref<128x256xf32, #tpu.memory_space<hbm>>) dst(%arg4 : memref<128x256xf32, #tpu.memory_space<vmem>>)
    %add3A_60 = arith.constant 128 : i32
    %add3A_61 = arith.addi %mul3A_32, %add3A_60 : i32
    %dma_start3A_62 = arith.constant 0 : i32
    %dma_start3A_63 = tpu.memref_slice %arg2[%select_n3A, %add3A_61, %dma_start3A_62] : memref<8x1024x256xf32, #tpu.memory_space<hbm>> -> memref<1x128x256xf32, #tpu.memory_space<hbm>>
    %dma_start3A_64 = tpu.memref_squeeze %dma_start3A_63 : memref<1x128x256xf32, #tpu.memory_space<hbm>> -> memref<128x256xf32, #tpu.memory_space<hbm>>
    %dma_start3A_65 = arith.constant 0 : i32
    %dma_start3A_66 = tpu.memref_slice %arg2[%select_n3A, %add3A_61, %dma_start3A_65] : memref<8x1024x256xf32, #tpu.memory_space<hbm>> -> memref<1x128x256xf32, #tpu.memory_space<hbm>>
    %dma_start3A_67 = tpu.memref_squeeze %dma_start3A_66 : memref<1x128x256xf32, #tpu.memory_space<hbm>> -> memref<128x256xf32, #tpu.memory_space<hbm>>
    tpu.enqueue_dma source(%dma_start3A_67 : memref<128x256xf32, #tpu.memory_space<hbm>>) target(%arg5 : memref<128x256xf32, #tpu.memory_space<vmem>>) target_semaphore(%arg8 : memref<!tpu.dma_semaphore, #tpu.memory_space<semaphore_mem>>)
    %scan3A = arith.constant 0 : i32
    %scan3A_68 = arith.constant 128 : i32
    %scan3A_69 = arith.addi %scan3A, %scan3A_68 : i32
    %scan3A_70 = arith.constant 1 : i32
    %scan3A_71:8 = scf.for %scan3A_108 = %scan3A to %scan3A_69 step %scan3A_70 iter_args(%scan3A_109 = %broadcast_in_dim3A_38, %scan3A_110 = %broadcast_in_dim3A_40, %scan3A_111 = %broadcast_in_dim3A_42, %scan3A_112 = %broadcast_in_dim3A_44, %scan3A_113 = %broadcast_in_dim3A_46, %scan3A_114 = %broadcast_in_dim3A_48, %scan3A_115 = %broadcast_in_dim3A_50, %scan3A_116 = %broadcast_in_dim3A_52) -> (vector<16xf32>, vector<16xf32>, vector<16xf32>, vector<16xf32>, vector<16xf32>, vector<16xf32>, vector<16xf32>, vector<16xf32>)  : i32 {
      %get3A = arith.index_cast %scan3A_108 : i32 to index
      %get3A_117 = arith.constant 0 : index
      %get3A_118 = tpu.vector_load %arg4[%get3A, %get3A_117] {strides = array<i32>} : memref<128x256xf32, #tpu.memory_space<vmem>>, vector<1x16xf32>,
      %get3A_119 = vector.shape_cast %get3A_118 : vector<1x16xf32> to vector<16xf32>
      %min3A_120 = arith.minimumf %scan3A_109, %get3A_119 : vector<16xf32>
      %get3A_121 = arith.index_cast %scan3A_108 : i32 to index
      %get3A_122 = arith.constant 16 : index
      %get3A_123 = tpu.vector_load %arg4[%get3A_121, %get3A_122] {strides = array<i32>} : memref<128x256xf32, #tpu.memory_space<vmem>>, vector<1x16xf32>,
      %get3A_124 = vector.shape_cast %get3A_123 : vector<1x16xf32> to vector<16xf32>
      %min3A_125 = arith.minimumf %scan3A_110, %get3A_124 : vector<16xf32>
      %get3A_126 = arith.index_cast %scan3A_108 : i32 to index
      %get3A_127 = arith.constant 32 : index
      %get3A_128 = tpu.vector_load %arg4[%get3A_126, %get3A_127] {strides = array<i32>} : memref<128x256xf32, #tpu.memory_space<vmem>>, vector<1x16xf32>,
      %get3A_129 = vector.shape_cast %get3A_128 : vector<1x16xf32> to vector<16xf32>
      %min3A_130 = arith.minimumf %scan3A_111, %get3A_129 : vector<16xf32>
      %get3A_131 = arith.index_cast %scan3A_108 : i32 to index
      %get3A_132 = arith.constant 48 : index
      %get3A_133 = tpu.vector_load %arg4[%get3A_131, %get3A_132] {strides = array<i32>} : memref<128x256xf32, #tpu.memory_space<vmem>>, vector<1x16xf32>,
      %get3A_134 = vector.shape_cast %get3A_133 : vector<1x16xf32> to vector<16xf32>
      %min3A_135 = arith.minimumf %scan3A_112, %get3A_134 : vector<16xf32>
      %get3A_136 = arith.index_cast %scan3A_108 : i32 to index
      %get3A_137 = arith.constant 64 : index
      %get3A_138 = tpu.vector_load %arg4[%get3A_136, %get3A_137] {strides = array<i32>} : memref<128x256xf32, #tpu.memory_space<vmem>>, vector<1x16xf32>,
      %get3A_139 = vector.shape_cast %get3A_138 : vector<1x16xf32> to vector<16xf32>
      %min3A_140 = arith.minimumf %scan3A_113, %get3A_139 : vector<16xf32>
      %get3A_141 = arith.index_cast %scan3A_108 : i32 to index
      %get3A_142 = arith.constant 80 : index
      %get3A_143 = tpu.vector_load %arg4[%get3A_141, %get3A_142] {strides = array<i32>} : memref<128x256xf32, #tpu.memory_space<vmem>>, vector<1x16xf32>,
      %get3A_144 = vector.shape_cast %get3A_143 : vector<1x16xf32> to vector<16xf32>
      %min3A_145 = arith.minimumf %scan3A_114, %get3A_144 : vector<16xf32>
      %get3A_146 = arith.index_cast %scan3A_108 : i32 to index
      %get3A_147 = arith.constant 96 : index
      %get3A_148 = tpu.vector_load %arg4[%get3A_146, %get3A_147] {strides = array<i32>} : memref<128x256xf32, #tpu.memory_space<vmem>>, vector<1x16xf32>,
      %get3A_149 = vector.shape_cast %get3A_148 : vector<1x16xf32> to vector<16xf32>
      %min3A_150 = arith.minimumf %scan3A_115, %get3A_149 : vector<16xf32>
      %get3A_151 = arith.index_cast %scan3A_108 : i32 to index
      %get3A_152 = arith.constant 112 : index
      %get3A_153 = tpu.vector_load %arg4[%get3A_151, %get3A_152] {strides = array<i32>} : memref<128x256xf32, #tpu.memory_space<vmem>>, vector<1x16xf32>,
      %get3A_154 = vector.shape_cast %get3A_153 : vector<1x16xf32> to vector<16xf32>
      %min3A_155 = arith.minimumf %scan3A_116, %get3A_154 : vector<16xf32>
      %get3A_156 = arith.index_cast %scan3A_108 : i32 to index
      %get3A_157 = arith.constant 128 : index
      %get3A_158 = tpu.vector_load %arg4[%get3A_156, %get3A_157] {strides = array<i32>} : memref<128x256xf32, #tpu.memory_space<vmem>>, vector<1x16xf32>,
      %get3A_159 = vector.shape_cast %get3A_158 : vector<1x16xf32> to vector<16xf32>
      %min3A_160 = arith.minimumf %min3A_120, %get3A_159 : vector<16xf32>
      %get3A_161 = arith.index_cast %scan3A_108 : i32 to index
      %get3A_162 = arith.constant 144 : index
      %get3A_163 = tpu.vector_load %arg4[%get3A_161, %get3A_162] {strides = array<i32>} : memref<128x256xf32, #tpu.memory_space<vmem>>, vector<1x16xf32>,
      %get3A_164 = vector.shape_cast %get3A_163 : vector<1x16xf32> to vector<16xf32>
      %min3A_165 = arith.minimumf %min3A_125, %get3A_164 : vector<16xf32>
      %get3A_166 = arith.index_cast %scan3A_108 : i32 to index
      %get3A_167 = arith.constant 160 : index
      %get3A_168 = tpu.vector_load %arg4[%get3A_166, %get3A_167] {strides = array<i32>} : memref<128x256xf32, #tpu.memory_space<vmem>>, vector<1x16xf32>,
      %get3A_169 = vector.shape_cast %get3A_168 : vector<1x16xf32> to vector<16xf32>
      %min3A_170 = arith.minimumf %min3A_130, %get3A_169 : vector<16xf32>
      %get3A_171 = arith.index_cast %scan3A_108 : i32 to index
      %get3A_172 = arith.constant 176 : index
      %get3A_173 = tpu.vector_load %arg4[%get3A_171, %get3A_172] {strides = array<i32>} : memref<128x256xf32, #tpu.memory_space<vmem>>, vector<1x16xf32>,
      %get3A_174 = vector.shape_cast %get3A_173 : vector<1x16xf32> to vector<16xf32>
      %min3A_175 = arith.minimumf %min3A_135, %get3A_174 : vector<16xf32>
      %get3A_176 = arith.index_cast %scan3A_108 : i32 to index
      %get3A_177 = arith.constant 192 : index
      %get3A_178 = tpu.vector_load %arg4[%get3A_176, %get3A_177] {strides = array<i32>} : memref<128x256xf32, #tpu.memory_space<vmem>>, vector<1x16xf32>,
      %get3A_179 = vector.shape_cast %get3A_178 : vector<1x16xf32> to vector<16xf32>
      %min3A_180 = arith.minimumf %min3A_140, %get3A_179 : vector<16xf32>
      %get3A_181 = arith.index_cast %scan3A_108 : i32 to index
      %get3A_182 = arith.constant 208 : index
      %get3A_183 = tpu.vector_load %arg4[%get3A_181, %get3A_182] {strides = array<i32>} : memref<128x256xf32, #tpu.memory_space<vmem>>, vector<1x16xf32>,
      %get3A_184 = vector.shape_cast %get3A_183 : vector<1x16xf32> to vector<16xf32>
      %min3A_185 = arith.minimumf %min3A_145, %get3A_184 : vector<16xf32>
      %get3A_186 = arith.index_cast %scan3A_108 : i32 to index
      %get3A_187 = arith.constant 224 : index
      %get3A_188 = tpu.vector_load %arg4[%get3A_186, %get3A_187] {strides = array<i32>} : memref<128x256xf32, #tpu.memory_space<vmem>>, vector<1x16xf32>,
      %get3A_189 = vector.shape_cast %get3A_188 : vector<1x16xf32> to vector<16xf32>
      %min3A_190 = arith.minimumf %min3A_150, %get3A_189 : vector<16xf32>
      %get3A_191 = arith.index_cast %scan3A_108 : i32 to index
      %get3A_192 = arith.constant 240 : index
      %get3A_193 = tpu.vector_load %arg4[%get3A_191, %get3A_192] {strides = array<i32>} : memref<128x256xf32, #tpu.memory_space<vmem>>, vector<1x16xf32>,
      %get3A_194 = vector.shape_cast %get3A_193 : vector<1x16xf32> to vector<16xf32>
      %min3A_195 = arith.minimumf %min3A_155, %get3A_194 : vector<16xf32>
      scf.yield %min3A_160, %min3A_165, %min3A_170, %min3A_175, %min3A_180, %min3A_185, %min3A_190, %min3A_195 : vector<16xf32>, vector<16xf32>, vector<16xf32>, vector<16xf32>, vector<16xf32>, vector<16xf32>, vector<16xf32>, vector<16xf32>
    }
    %scan3A_72 = arith.constant 128 : i32
    %add3A_73 = arith.constant 128 : i32
    %add3A_74 = arith.addi %mul3A_32, %add3A_73 : i32
    %dma_wait3A_75 = arith.constant 0 : i32
    %dma_wait3A_76 = tpu.memref_slice %arg2[%select_n3A, %add3A_74, %dma_wait3A_75] : memref<8x1024x256xf32, #tpu.memory_space<hbm>> -> memref<1x128x256xf32, #tpu.memory_space<hbm>>
    %dma_wait3A_77 = tpu.memref_squeeze %dma_wait3A_76 : memref<1x128x256xf32, #tpu.memory_space<hbm>> -> memref<128x256xf32, #tpu.memory_space<hbm>>
    %dma_wait3A_78 = arith.constant 0 : i32
    %dma_wait3A_79 = tpu.memref_slice %arg2[%select_n3A, %add3A_74, %dma_wait3A_78] : memref<8x1024x256xf32, #tpu.memory_space<hbm>> -> memref<1x128x256xf32, #tpu.memory_space<hbm>>
    %dma_wait3A_80 = tpu.memref_squeeze %dma_wait3A_79 : memref<1x128x256xf32, #tpu.memory_space<hbm>> -> memref<128x256xf32, #tpu.memory_space<hbm>>
    tpu.wait_dma2 semaphore(%arg8 : memref<!tpu.dma_semaphore, #tpu.memory_space<semaphore_mem>>) src(%dma_wait3A_80 : memref<128x256xf32, #tpu.memory_space<hbm>>) dst(%arg5 : memref<128x256xf32, #tpu.memory_space<vmem>>)
    %scan3A_81 = arith.constant 0 : i32
    %scan3A_82 = arith.constant 128 : i32
    %scan3A_83 = arith.addi %scan3A_81, %scan3A_82 : i32
    %scan3A_84 = arith.constant 1 : i32
    %scan3A_85:8 = scf.for %scan3A_108 = %scan3A_81 to %scan3A_83 step %scan3A_84 iter_args(%scan3A_109 = %scan3A_71#0, %scan3A_110 = %scan3A_71#1, %scan3A_111 = %scan3A_71#2, %scan3A_112 = %scan3A_71#3, %scan3A_113 = %scan3A_71#4, %scan3A_114 = %scan3A_71#5, %scan3A_115 = %scan3A_71#6, %scan3A_116 = %scan3A_71#7) -> (vector<16xf32>, vector<16xf32>, vector<16xf32>, vector<16xf32>, vector<16xf32>, vector<16xf32>, vector<16xf32>, vector<16xf32>)  : i32 {
      %get3A = arith.index_cast %scan3A_108 : i32 to index
      %get3A_117 = arith.constant 0 : index
      %get3A_118 = tpu.vector_load %arg5[%get3A, %get3A_117] {strides = array<i32>} : memref<128x256xf32, #tpu.memory_space<vmem>>, vector<1x16xf32>,
      %get3A_119 = vector.shape_cast %get3A_118 : vector<1x16xf32> to vector<16xf32>
      %min3A_120 = arith.minimumf %scan3A_109, %get3A_119 : vector<16xf32>
      %get3A_121 = arith.index_cast %scan3A_108 : i32 to index
      %get3A_122 = arith.constant 16 : index
      %get3A_123 = tpu.vector_load %arg5[%get3A_121, %get3A_122] {strides = array<i32>} : memref<128x256xf32, #tpu.memory_space<vmem>>, vector<1x16xf32>,
      %get3A_124 = vector.shape_cast %get3A_123 : vector<1x16xf32> to vector<16xf32>
      %min3A_125 = arith.minimumf %scan3A_110, %get3A_124 : vector<16xf32>
      %get3A_126 = arith.index_cast %scan3A_108 : i32 to index
      %get3A_127 = arith.constant 32 : index
      %get3A_128 = tpu.vector_load %arg5[%get3A_126, %get3A_127] {strides = array<i32>} : memref<128x256xf32, #tpu.memory_space<vmem>>, vector<1x16xf32>,
      %get3A_129 = vector.shape_cast %get3A_128 : vector<1x16xf32> to vector<16xf32>
      %min3A_130 = arith.minimumf %scan3A_111, %get3A_129 : vector<16xf32>
      %get3A_131 = arith.index_cast %scan3A_108 : i32 to index
      %get3A_132 = arith.constant 48 : index
      %get3A_133 = tpu.vector_load %arg5[%get3A_131, %get3A_132] {strides = array<i32>} : memref<128x256xf32, #tpu.memory_space<vmem>>, vector<1x16xf32>,
      %get3A_134 = vector.shape_cast %get3A_133 : vector<1x16xf32> to vector<16xf32>
      %min3A_135 = arith.minimumf %scan3A_112, %get3A_134 : vector<16xf32>
      %get3A_136 = arith.index_cast %scan3A_108 : i32 to index
      %get3A_137 = arith.constant 64 : index
      %get3A_138 = tpu.vector_load %arg5[%get3A_136, %get3A_137] {strides = array<i32>} : memref<128x256xf32, #tpu.memory_space<vmem>>, vector<1x16xf32>,
      %get3A_139 = vector.shape_cast %get3A_138 : vector<1x16xf32> to vector<16xf32>
      %min3A_140 = arith.minimumf %scan3A_113, %get3A_139 : vector<16xf32>
      %get3A_141 = arith.index_cast %scan3A_108 : i32 to index
      %get3A_142 = arith.constant 80 : index
      %get3A_143 = tpu.vector_load %arg5[%get3A_141, %get3A_142] {strides = array<i32>} : memref<128x256xf32, #tpu.memory_space<vmem>>, vector<1x16xf32>,
      %get3A_144 = vector.shape_cast %get3A_143 : vector<1x16xf32> to vector<16xf32>
      %min3A_145 = arith.minimumf %scan3A_114, %get3A_144 : vector<16xf32>
      %get3A_146 = arith.index_cast %scan3A_108 : i32 to index
      %get3A_147 = arith.constant 96 : index
      %get3A_148 = tpu.vector_load %arg5[%get3A_146, %get3A_147] {strides = array<i32>} : memref<128x256xf32, #tpu.memory_space<vmem>>, vector<1x16xf32>,
      %get3A_149 = vector.shape_cast %get3A_148 : vector<1x16xf32> to vector<16xf32>
      %min3A_150 = arith.minimumf %scan3A_115, %get3A_149 : vector<16xf32>
      %get3A_151 = arith.index_cast %scan3A_108 : i32 to index
      %get3A_152 = arith.constant 112 : index
      %get3A_153 = tpu.vector_load %arg5[%get3A_151, %get3A_152] {strides = array<i32>} : memref<128x256xf32, #tpu.memory_space<vmem>>, vector<1x16xf32>,
      %get3A_154 = vector.shape_cast %get3A_153 : vector<1x16xf32> to vector<16xf32>
      %min3A_155 = arith.minimumf %scan3A_116, %get3A_154 : vector<16xf32>
      %get3A_156 = arith.index_cast %scan3A_108 : i32 to index
      %get3A_157 = arith.constant 128 : index
      %get3A_158 = tpu.vector_load %arg5[%get3A_156, %get3A_157] {strides = array<i32>} : memref<128x256xf32, #tpu.memory_space<vmem>>, vector<1x16xf32>,
      %get3A_159 = vector.shape_cast %get3A_158 : vector<1x16xf32> to vector<16xf32>
      %min3A_160 = arith.minimumf %min3A_120, %get3A_159 : vector<16xf32>
      %get3A_161 = arith.index_cast %scan3A_108 : i32 to index
      %get3A_162 = arith.constant 144 : index
      %get3A_163 = tpu.vector_load %arg5[%get3A_161, %get3A_162] {strides = array<i32>} : memref<128x256xf32, #tpu.memory_space<vmem>>, vector<1x16xf32>,
      %get3A_164 = vector.shape_cast %get3A_163 : vector<1x16xf32> to vector<16xf32>
      %min3A_165 = arith.minimumf %min3A_125, %get3A_164 : vector<16xf32>
      %get3A_166 = arith.index_cast %scan3A_108 : i32 to index
      %get3A_167 = arith.constant 160 : index
      %get3A_168 = tpu.vector_load %arg5[%get3A_166, %get3A_167] {strides = array<i32>} : memref<128x256xf32, #tpu.memory_space<vmem>>, vector<1x16xf32>,
      %get3A_169 = vector.shape_cast %get3A_168 : vector<1x16xf32> to vector<16xf32>
      %min3A_170 = arith.minimumf %min3A_130, %get3A_169 : vector<16xf32>
      %get3A_171 = arith.index_cast %scan3A_108 : i32 to index
      %get3A_172 = arith.constant 176 : index
      %get3A_173 = tpu.vector_load %arg5[%get3A_171, %get3A_172] {strides = array<i32>} : memref<128x256xf32, #tpu.memory_space<vmem>>, vector<1x16xf32>,
      %get3A_174 = vector.shape_cast %get3A_173 : vector<1x16xf32> to vector<16xf32>
      %min3A_175 = arith.minimumf %min3A_135, %get3A_174 : vector<16xf32>
      %get3A_176 = arith.index_cast %scan3A_108 : i32 to index
      %get3A_177 = arith.constant 192 : index
      %get3A_178 = tpu.vector_load %arg5[%get3A_176, %get3A_177] {strides = array<i32>} : memref<128x256xf32, #tpu.memory_space<vmem>>, vector<1x16xf32>,
      %get3A_179 = vector.shape_cast %get3A_178 : vector<1x16xf32> to vector<16xf32>
      %min3A_180 = arith.minimumf %min3A_140, %get3A_179 : vector<16xf32>
      %get3A_181 = arith.index_cast %scan3A_108 : i32 to index
      %get3A_182 = arith.constant 208 : index
      %get3A_183 = tpu.vector_load %arg5[%get3A_181, %get3A_182] {strides = array<i32>} : memref<128x256xf32, #tpu.memory_space<vmem>>, vector<1x16xf32>,
      %get3A_184 = vector.shape_cast %get3A_183 : vector<1x16xf32> to vector<16xf32>
      %min3A_185 = arith.minimumf %min3A_145, %get3A_184 : vector<16xf32>
      %get3A_186 = arith.index_cast %scan3A_108 : i32 to index
      %get3A_187 = arith.constant 224 : index
      %get3A_188 = tpu.vector_load %arg5[%get3A_186, %get3A_187] {strides = array<i32>} : memref<128x256xf32, #tpu.memory_space<vmem>>, vector<1x16xf32>,
      %get3A_189 = vector.shape_cast %get3A_188 : vector<1x16xf32> to vector<16xf32>
      %min3A_190 = arith.minimumf %min3A_150, %get3A_189 : vector<16xf32>
      %get3A_191 = arith.index_cast %scan3A_108 : i32 to index
      %get3A_192 = arith.constant 240 : index
      %get3A_193 = tpu.vector_load %arg5[%get3A_191, %get3A_192] {strides = array<i32>} : memref<128x256xf32, #tpu.memory_space<vmem>>, vector<1x16xf32>,
      %get3A_194 = vector.shape_cast %get3A_193 : vector<1x16xf32> to vector<16xf32>
      %min3A_195 = arith.minimumf %min3A_155, %get3A_194 : vector<16xf32>
      scf.yield %min3A_160, %min3A_165, %min3A_170, %min3A_175, %min3A_180, %min3A_185, %min3A_190, %min3A_195 : vector<16xf32>, vector<16xf32>, vector<16xf32>, vector<16xf32>, vector<16xf32>, vector<16xf32>, vector<16xf32>, vector<16xf32>
    }
    %scan3A_86 = arith.constant 128 : i32
    %min3A = arith.minimumf %scan3A_85#0, %scan3A_85#1 : vector<16xf32>
    %min3A_87 = arith.minimumf %min3A, %scan3A_85#2 : vector<16xf32>
    %min3A_88 = arith.minimumf %min3A_87, %scan3A_85#3 : vector<16xf32>
    %min3A_89 = arith.minimumf %min3A_88, %scan3A_85#4 : vector<16xf32>
    %min3A_90 = arith.minimumf %min3A_89, %scan3A_85#5 : vector<16xf32>
    %min3A_91 = arith.minimumf %min3A_90, %scan3A_85#6 : vector<16xf32>
    %min3A_92 = arith.minimumf %min3A_91, %scan3A_85#7 : vector<16xf32>
    %swap3A = arith.constant 0 : index
    %swap3A_93 = tpu.vector_load %arg6[%swap3A] {strides = array<i32>} : memref<16xf32, #tpu.memory_space<vmem>>, vector<16xf32>,
    %swap3A_94 = vector.shape_cast %swap3A_93 : vector<16xf32> to vector<16xf32>
    %swap3A_95 = vector.shape_cast %min3A_92 : vector<16xf32> to vector<16xf32>
    tpu.vector_store %arg6[%swap3A], %swap3A_95 {strides = array<i32>} : memref<16xf32, #tpu.memory_space<vmem>>, vector<16xf32>,
    %dma_start3A_96 = arith.constant 0 : i32
    %dma_start3A_97 = tpu.memref_slice %arg3[%add3A, %dma_start3A_96] : memref<32x16xf32, #tpu.memory_space<hbm>> -> memref<1x16xf32, #tpu.memory_space<hbm>>
    %dma_start3A_98 = tpu.memref_squeeze %dma_start3A_97 : memref<1x16xf32, #tpu.memory_space<hbm>> -> memref<16xf32, #tpu.memory_space<hbm>>
    %dma_start3A_99 = arith.constant 0 : i32
    %dma_start3A_100 = tpu.memref_slice %arg3[%add3A, %dma_start3A_99] : memref<32x16xf32, #tpu.memory_space<hbm>> -> memref<1x16xf32, #tpu.memory_space<hbm>>
    %dma_start3A_101 = tpu.memref_squeeze %dma_start3A_100 : memref<1x16xf32, #tpu.memory_space<hbm>> -> memref<16xf32, #tpu.memory_space<hbm>>
    tpu.enqueue_dma source(%arg6 : memref<16xf32, #tpu.memory_space<vmem>>) target(%dma_start3A_101 : memref<16xf32, #tpu.memory_space<hbm>>) target_semaphore(%arg9 : memref<!tpu.dma_semaphore, #tpu.memory_space<semaphore_mem>>)
    %dma_wait3A_102 = arith.constant 0 : i32
    %dma_wait3A_103 = tpu.memref_slice %arg3[%add3A, %dma_wait3A_102] : memref<32x16xf32, #tpu.memory_space<hbm>> -> memref<1x16xf32, #tpu.memory_space<hbm>>
    %dma_wait3A_104 = tpu.memref_squeeze %dma_wait3A_103 : memref<1x16xf32, #tpu.memory_space<hbm>> -> memref<16xf32, #tpu.memory_space<hbm>>
    %dma_wait3A_105 = arith.constant 0 : i32
    %dma_wait3A_106 = tpu.memref_slice %arg3[%add3A, %dma_wait3A_105] : memref<32x16xf32, #tpu.memory_space<hbm>> -> memref<1x16xf32, #tpu.memory_space<hbm>>
    %dma_wait3A_107 = tpu.memref_squeeze %dma_wait3A_106 : memref<1x16xf32, #tpu.memory_space<hbm>> -> memref<16xf32, #tpu.memory_space<hbm>>
    tpu.wait_dma2 semaphore(%arg9 : memref<!tpu.dma_semaphore, #tpu.memory_space<semaphore_mem>>) src(%arg6 : memref<16xf32, #tpu.memory_space<vmem>>) dst(%dma_wait3A_107 : memref<16xf32, #tpu.memory_space<hbm>>)
    return
  }
}

module attributes {stable_mosaic.version = 14 : i64} {
  func.func @_tc_copy_fill_body(%arg0: memref<32x16xf32, #tpu.memory_space<vmem>>, %arg1: memref<8x1024x256xf32, #tpu.memory_space<hbm>>, %arg2: memref<8x2048x256xf32, #tpu.memory_space<hbm>>, %arg3: memref<2x4x1024x256xf32, #tpu.memory_space<vmem>>, %arg4: memref<1024x256xf32, #tpu.memory_space<vmem>>, %arg5: memref<2x!tpu.dma_semaphore, #tpu.memory_space<semaphore_mem>>, %arg6: memref<2x!tpu.dma_semaphore, #tpu.memory_space<semaphore_mem>>, %arg7: memref<8x!tpu.dma_semaphore, #tpu.memory_space<semaphore_mem>>) attributes {dimension_semantics = [], scalar_prefetch = 0 : i64, scratch_operands = 5 : i64, tpu.core_type = #tpu.core_type<tc>} {
    %dma_start3A = arith.constant 0 : i32
    %dma_start3A_0 = arith.constant 0 : i32
    %dma_start3A_1 = tpu.memref_slice %arg5[%dma_start3A_0] : memref<2x!tpu.dma_semaphore, #tpu.memory_space<semaphore_mem>> -> memref<1x!tpu.dma_semaphore, #tpu.memory_space<semaphore_mem>>
    %dma_start3A_2 = tpu.memref_squeeze %dma_start3A_1 : memref<1x!tpu.dma_semaphore, #tpu.memory_space<semaphore_mem>> -> memref<!tpu.dma_semaphore, #tpu.memory_space<semaphore_mem>>
    %dma_start3A_3 = arith.constant 0 : i32
    %dma_start3A_4 = arith.constant 0 : i32
    %dma_start3A_5 = arith.constant 0 : i32
    %dma_start3A_6 = tpu.memref_slice %arg3[%dma_start3A, %dma_start3A_3, %dma_start3A_4, %dma_start3A_5] : memref<2x4x1024x256xf32, #tpu.memory_space<vmem>> -> memref<1x4x1024x256xf32, #tpu.memory_space<vmem>>
    %dma_start3A_7 = tpu.memref_squeeze %dma_start3A_6 : memref<1x4x1024x256xf32, #tpu.memory_space<vmem>> -> memref<4x1024x256xf32, #tpu.memory_space<vmem>>
    %dma_start3A_8 = arith.constant 0 : i32
    %dma_start3A_9 = arith.constant 0 : i32
    %dma_start3A_10 = arith.constant 0 : i32
    %dma_start3A_11 = tpu.memref_slice %arg1[%dma_start3A_8, %dma_start3A_9, %dma_start3A_10] : memref<8x1024x256xf32, #tpu.memory_space<hbm>> -> memref<4x1024x256xf32, #tpu.memory_space<hbm>>
    tpu.enqueue_dma source(%dma_start3A_11 : memref<4x1024x256xf32, #tpu.memory_space<hbm>>) target(%dma_start3A_7 : memref<4x1024x256xf32, #tpu.memory_space<vmem>>) target_semaphore(%dma_start3A_2 : memref<!tpu.dma_semaphore, #tpu.memory_space<semaphore_mem>>)
    %dma_start3A_12 = arith.constant 1 : i32
    %dma_start3A_13 = arith.constant 1 : i32
    %dma_start3A_14 = tpu.memref_slice %arg5[%dma_start3A_13] : memref<2x!tpu.dma_semaphore, #tpu.memory_space<semaphore_mem>> -> memref<1x!tpu.dma_semaphore, #tpu.memory_space<semaphore_mem>>
    %dma_start3A_15 = tpu.memref_squeeze %dma_start3A_14 : memref<1x!tpu.dma_semaphore, #tpu.memory_space<semaphore_mem>> -> memref<!tpu.dma_semaphore, #tpu.memory_space<semaphore_mem>>
    %dma_start3A_16 = arith.constant 0 : i32
    %dma_start3A_17 = arith.constant 0 : i32
    %dma_start3A_18 = arith.constant 0 : i32
    %dma_start3A_19 = tpu.memref_slice %arg3[%dma_start3A_12, %dma_start3A_16, %dma_start3A_17, %dma_start3A_18] : memref<2x4x1024x256xf32, #tpu.memory_space<vmem>> -> memref<1x4x1024x256xf32, #tpu.memory_space<vmem>>
    %dma_start3A_20 = tpu.memref_squeeze %dma_start3A_19 : memref<1x4x1024x256xf32, #tpu.memory_space<vmem>> -> memref<4x1024x256xf32, #tpu.memory_space<vmem>>
    %dma_start3A_21 = arith.constant 4 : i32
    %dma_start3A_22 = arith.constant 0 : i32
    %dma_start3A_23 = arith.constant 0 : i32
    %dma_start3A_24 = tpu.memref_slice %arg1[%dma_start3A_21, %dma_start3A_22, %dma_start3A_23] : memref<8x1024x256xf32, #tpu.memory_space<hbm>> -> memref<4x1024x256xf32, #tpu.memory_space<hbm>>
    tpu.enqueue_dma source(%dma_start3A_24 : memref<4x1024x256xf32, #tpu.memory_space<hbm>>) target(%dma_start3A_20 : memref<4x1024x256xf32, #tpu.memory_space<vmem>>) target_semaphore(%dma_start3A_15 : memref<!tpu.dma_semaphore, #tpu.memory_space<semaphore_mem>>)
    %get3A = arith.constant 0 : index
    %get3A_25 = arith.constant 0 : index
    %get3A_26 = vector.load %arg0[%get3A, %get3A_25] : memref<32x16xf32, #tpu.memory_space<vmem>>, vector<32x16xf32>
    %reduce_min3A = vector.shape_cast %get3A_26 : vector<32x16xf32> to vector<1x32x16xf32>
    %reduce_min3A_27 = arith.constant dense<0x7F800000> : vector<1xf32>
    %reduce_min3A_28 = vector.multi_reduction <minimumf>, %reduce_min3A, %reduce_min3A_27 [1, 2] : vector<1x32x16xf32> to vector<1xf32>
    %reduce_min3A_29 = vector.shape_cast %reduce_min3A_28 : vector<1xf32> to vector<1x1x1xf32>
    %reduce_min3A_30 = vector.extract %reduce_min3A_29[0, 0, 0] : f32 from vector<1x1x1xf32>
    %sub3A = arith.constant 1.000000e+00 : f32
    %sub3A_31 = arith.subf %reduce_min3A_30, %sub3A : f32
    %broadcast_in_dim3A = vector.broadcast %sub3A_31 : f32 to vector<1024x256xf32>
    %swap3A = arith.constant 0 : index
    %swap3A_32 = arith.constant 0 : index
    %swap3A_33 = vector.load %arg4[%swap3A, %swap3A_32] : memref<1024x256xf32, #tpu.memory_space<vmem>>, vector<1024x256xf32>
    tpu.vector_store %arg4[%swap3A, %swap3A_32], %broadcast_in_dim3A {strides = array<i32>} : memref<1024x256xf32, #tpu.memory_space<vmem>>, vector<1024x256xf32>,
    %dma_start3A_34 = arith.constant 0 : i32
    %dma_start3A_35 = arith.constant 0 : i32
    %dma_start3A_36 = tpu.memref_slice %arg7[%dma_start3A_35] : memref<8x!tpu.dma_semaphore, #tpu.memory_space<semaphore_mem>> -> memref<1x!tpu.dma_semaphore, #tpu.memory_space<semaphore_mem>>
    %dma_start3A_37 = tpu.memref_squeeze %dma_start3A_36 : memref<1x!tpu.dma_semaphore, #tpu.memory_space<semaphore_mem>> -> memref<!tpu.dma_semaphore, #tpu.memory_space<semaphore_mem>>
    %dma_start3A_38 = arith.constant 1024 : i32
    %dma_start3A_39 = arith.constant 0 : i32
    %dma_start3A_40 = tpu.memref_slice %arg2[%dma_start3A_34, %dma_start3A_38, %dma_start3A_39] : memref<8x2048x256xf32, #tpu.memory_space<hbm>> -> memref<1x1024x256xf32, #tpu.memory_space<hbm>>
    %dma_start3A_41 = tpu.memref_squeeze %dma_start3A_40 : memref<1x1024x256xf32, #tpu.memory_space<hbm>> -> memref<1024x256xf32, #tpu.memory_space<hbm>>
    tpu.enqueue_dma source(%arg4 : memref<1024x256xf32, #tpu.memory_space<vmem>>) target(%dma_start3A_41 : memref<1024x256xf32, #tpu.memory_space<hbm>>) target_semaphore(%dma_start3A_37 : memref<!tpu.dma_semaphore, #tpu.memory_space<semaphore_mem>>)
    %dma_start3A_42 = arith.constant 1 : i32
    %dma_start3A_43 = arith.constant 1 : i32
    %dma_start3A_44 = tpu.memref_slice %arg7[%dma_start3A_43] : memref<8x!tpu.dma_semaphore, #tpu.memory_space<semaphore_mem>> -> memref<1x!tpu.dma_semaphore, #tpu.memory_space<semaphore_mem>>
    %dma_start3A_45 = tpu.memref_squeeze %dma_start3A_44 : memref<1x!tpu.dma_semaphore, #tpu.memory_space<semaphore_mem>> -> memref<!tpu.dma_semaphore, #tpu.memory_space<semaphore_mem>>
    %dma_start3A_46 = arith.constant 1024 : i32
    %dma_start3A_47 = arith.constant 0 : i32
    %dma_start3A_48 = tpu.memref_slice %arg2[%dma_start3A_42, %dma_start3A_46, %dma_start3A_47] : memref<8x2048x256xf32, #tpu.memory_space<hbm>> -> memref<1x1024x256xf32, #tpu.memory_space<hbm>>
    %dma_start3A_49 = tpu.memref_squeeze %dma_start3A_48 : memref<1x1024x256xf32, #tpu.memory_space<hbm>> -> memref<1024x256xf32, #tpu.memory_space<hbm>>
    tpu.enqueue_dma source(%arg4 : memref<1024x256xf32, #tpu.memory_space<vmem>>) target(%dma_start3A_49 : memref<1024x256xf32, #tpu.memory_space<hbm>>) target_semaphore(%dma_start3A_45 : memref<!tpu.dma_semaphore, #tpu.memory_space<semaphore_mem>>)
    %dma_start3A_50 = arith.constant 2 : i32
    %dma_start3A_51 = arith.constant 2 : i32
    %dma_start3A_52 = tpu.memref_slice %arg7[%dma_start3A_51] : memref<8x!tpu.dma_semaphore, #tpu.memory_space<semaphore_mem>> -> memref<1x!tpu.dma_semaphore, #tpu.memory_space<semaphore_mem>>
    %dma_start3A_53 = tpu.memref_squeeze %dma_start3A_52 : memref<1x!tpu.dma_semaphore, #tpu.memory_space<semaphore_mem>> -> memref<!tpu.dma_semaphore, #tpu.memory_space<semaphore_mem>>
    %dma_start3A_54 = arith.constant 1024 : i32
    %dma_start3A_55 = arith.constant 0 : i32
    %dma_start3A_56 = tpu.memref_slice %arg2[%dma_start3A_50, %dma_start3A_54, %dma_start3A_55] : memref<8x2048x256xf32, #tpu.memory_space<hbm>> -> memref<1x1024x256xf32, #tpu.memory_space<hbm>>
    %dma_start3A_57 = tpu.memref_squeeze %dma_start3A_56 : memref<1x1024x256xf32, #tpu.memory_space<hbm>> -> memref<1024x256xf32, #tpu.memory_space<hbm>>
    tpu.enqueue_dma source(%arg4 : memref<1024x256xf32, #tpu.memory_space<vmem>>) target(%dma_start3A_57 : memref<1024x256xf32, #tpu.memory_space<hbm>>) target_semaphore(%dma_start3A_53 : memref<!tpu.dma_semaphore, #tpu.memory_space<semaphore_mem>>)
    %dma_start3A_58 = arith.constant 3 : i32
    %dma_start3A_59 = arith.constant 3 : i32
    %dma_start3A_60 = tpu.memref_slice %arg7[%dma_start3A_59] : memref<8x!tpu.dma_semaphore, #tpu.memory_space<semaphore_mem>> -> memref<1x!tpu.dma_semaphore, #tpu.memory_space<semaphore_mem>>
    %dma_start3A_61 = tpu.memref_squeeze %dma_start3A_60 : memref<1x!tpu.dma_semaphore, #tpu.memory_space<semaphore_mem>> -> memref<!tpu.dma_semaphore, #tpu.memory_space<semaphore_mem>>
    %dma_start3A_62 = arith.constant 1024 : i32
    %dma_start3A_63 = arith.constant 0 : i32
    %dma_start3A_64 = tpu.memref_slice %arg2[%dma_start3A_58, %dma_start3A_62, %dma_start3A_63] : memref<8x2048x256xf32, #tpu.memory_space<hbm>> -> memref<1x1024x256xf32, #tpu.memory_space<hbm>>
    %dma_start3A_65 = tpu.memref_squeeze %dma_start3A_64 : memref<1x1024x256xf32, #tpu.memory_space<hbm>> -> memref<1024x256xf32, #tpu.memory_space<hbm>>
    tpu.enqueue_dma source(%arg4 : memref<1024x256xf32, #tpu.memory_space<vmem>>) target(%dma_start3A_65 : memref<1024x256xf32, #tpu.memory_space<hbm>>) target_semaphore(%dma_start3A_61 : memref<!tpu.dma_semaphore, #tpu.memory_space<semaphore_mem>>)
    %dma_start3A_66 = arith.constant 4 : i32
    %dma_start3A_67 = arith.constant 4 : i32
    %dma_start3A_68 = tpu.memref_slice %arg7[%dma_start3A_67] : memref<8x!tpu.dma_semaphore, #tpu.memory_space<semaphore_mem>> -> memref<1x!tpu.dma_semaphore, #tpu.memory_space<semaphore_mem>>
    %dma_start3A_69 = tpu.memref_squeeze %dma_start3A_68 : memref<1x!tpu.dma_semaphore, #tpu.memory_space<semaphore_mem>> -> memref<!tpu.dma_semaphore, #tpu.memory_space<semaphore_mem>>
    %dma_start3A_70 = arith.constant 1024 : i32
    %dma_start3A_71 = arith.constant 0 : i32
    %dma_start3A_72 = tpu.memref_slice %arg2[%dma_start3A_66, %dma_start3A_70, %dma_start3A_71] : memref<8x2048x256xf32, #tpu.memory_space<hbm>> -> memref<1x1024x256xf32, #tpu.memory_space<hbm>>
    %dma_start3A_73 = tpu.memref_squeeze %dma_start3A_72 : memref<1x1024x256xf32, #tpu.memory_space<hbm>> -> memref<1024x256xf32, #tpu.memory_space<hbm>>
    tpu.enqueue_dma source(%arg4 : memref<1024x256xf32, #tpu.memory_space<vmem>>) target(%dma_start3A_73 : memref<1024x256xf32, #tpu.memory_space<hbm>>) target_semaphore(%dma_start3A_69 : memref<!tpu.dma_semaphore, #tpu.memory_space<semaphore_mem>>)
    %dma_start3A_74 = arith.constant 5 : i32
    %dma_start3A_75 = arith.constant 5 : i32
    %dma_start3A_76 = tpu.memref_slice %arg7[%dma_start3A_75] : memref<8x!tpu.dma_semaphore, #tpu.memory_space<semaphore_mem>> -> memref<1x!tpu.dma_semaphore, #tpu.memory_space<semaphore_mem>>
    %dma_start3A_77 = tpu.memref_squeeze %dma_start3A_76 : memref<1x!tpu.dma_semaphore, #tpu.memory_space<semaphore_mem>> -> memref<!tpu.dma_semaphore, #tpu.memory_space<semaphore_mem>>
    %dma_start3A_78 = arith.constant 1024 : i32
    %dma_start3A_79 = arith.constant 0 : i32
    %dma_start3A_80 = tpu.memref_slice %arg2[%dma_start3A_74, %dma_start3A_78, %dma_start3A_79] : memref<8x2048x256xf32, #tpu.memory_space<hbm>> -> memref<1x1024x256xf32, #tpu.memory_space<hbm>>
    %dma_start3A_81 = tpu.memref_squeeze %dma_start3A_80 : memref<1x1024x256xf32, #tpu.memory_space<hbm>> -> memref<1024x256xf32, #tpu.memory_space<hbm>>
    tpu.enqueue_dma source(%arg4 : memref<1024x256xf32, #tpu.memory_space<vmem>>) target(%dma_start3A_81 : memref<1024x256xf32, #tpu.memory_space<hbm>>) target_semaphore(%dma_start3A_77 : memref<!tpu.dma_semaphore, #tpu.memory_space<semaphore_mem>>)
    %dma_start3A_82 = arith.constant 6 : i32
    %dma_start3A_83 = arith.constant 6 : i32
    %dma_start3A_84 = tpu.memref_slice %arg7[%dma_start3A_83] : memref<8x!tpu.dma_semaphore, #tpu.memory_space<semaphore_mem>> -> memref<1x!tpu.dma_semaphore, #tpu.memory_space<semaphore_mem>>
    %dma_start3A_85 = tpu.memref_squeeze %dma_start3A_84 : memref<1x!tpu.dma_semaphore, #tpu.memory_space<semaphore_mem>> -> memref<!tpu.dma_semaphore, #tpu.memory_space<semaphore_mem>>
    %dma_start3A_86 = arith.constant 1024 : i32
    %dma_start3A_87 = arith.constant 0 : i32
    %dma_start3A_88 = tpu.memref_slice %arg2[%dma_start3A_82, %dma_start3A_86, %dma_start3A_87] : memref<8x2048x256xf32, #tpu.memory_space<hbm>> -> memref<1x1024x256xf32, #tpu.memory_space<hbm>>
    %dma_start3A_89 = tpu.memref_squeeze %dma_start3A_88 : memref<1x1024x256xf32, #tpu.memory_space<hbm>> -> memref<1024x256xf32, #tpu.memory_space<hbm>>
    tpu.enqueue_dma source(%arg4 : memref<1024x256xf32, #tpu.memory_space<vmem>>) target(%dma_start3A_89 : memref<1024x256xf32, #tpu.memory_space<hbm>>) target_semaphore(%dma_start3A_85 : memref<!tpu.dma_semaphore, #tpu.memory_space<semaphore_mem>>)
    %dma_start3A_90 = arith.constant 7 : i32
    %dma_start3A_91 = arith.constant 7 : i32
    %dma_start3A_92 = tpu.memref_slice %arg7[%dma_start3A_91] : memref<8x!tpu.dma_semaphore, #tpu.memory_space<semaphore_mem>> -> memref<1x!tpu.dma_semaphore, #tpu.memory_space<semaphore_mem>>
    %dma_start3A_93 = tpu.memref_squeeze %dma_start3A_92 : memref<1x!tpu.dma_semaphore, #tpu.memory_space<semaphore_mem>> -> memref<!tpu.dma_semaphore, #tpu.memory_space<semaphore_mem>>
    %dma_start3A_94 = arith.constant 1024 : i32
    %dma_start3A_95 = arith.constant 0 : i32
    %dma_start3A_96 = tpu.memref_slice %arg2[%dma_start3A_90, %dma_start3A_94, %dma_start3A_95] : memref<8x2048x256xf32, #tpu.memory_space<hbm>> -> memref<1x1024x256xf32, #tpu.memory_space<hbm>>
    %dma_start3A_97 = tpu.memref_squeeze %dma_start3A_96 : memref<1x1024x256xf32, #tpu.memory_space<hbm>> -> memref<1024x256xf32, #tpu.memory_space<hbm>>
    tpu.enqueue_dma source(%arg4 : memref<1024x256xf32, #tpu.memory_space<vmem>>) target(%dma_start3A_97 : memref<1024x256xf32, #tpu.memory_space<hbm>>) target_semaphore(%dma_start3A_93 : memref<!tpu.dma_semaphore, #tpu.memory_space<semaphore_mem>>)
    %dma_wait3A = arith.constant 0 : i32
    %dma_wait3A_98 = arith.constant 0 : i32
    %dma_wait3A_99 = tpu.memref_slice %arg5[%dma_wait3A_98] : memref<2x!tpu.dma_semaphore, #tpu.memory_space<semaphore_mem>> -> memref<1x!tpu.dma_semaphore, #tpu.memory_space<semaphore_mem>>
    %dma_wait3A_100 = tpu.memref_squeeze %dma_wait3A_99 : memref<1x!tpu.dma_semaphore, #tpu.memory_space<semaphore_mem>> -> memref<!tpu.dma_semaphore, #tpu.memory_space<semaphore_mem>>
    %dma_wait3A_101 = arith.constant 0 : i32
    %dma_wait3A_102 = arith.constant 0 : i32
    %dma_wait3A_103 = arith.constant 0 : i32
    %dma_wait3A_104 = tpu.memref_slice %arg3[%dma_wait3A, %dma_wait3A_101, %dma_wait3A_102, %dma_wait3A_103] : memref<2x4x1024x256xf32, #tpu.memory_space<vmem>> -> memref<1x4x1024x256xf32, #tpu.memory_space<vmem>>
    %dma_wait3A_105 = tpu.memref_squeeze %dma_wait3A_104 : memref<1x4x1024x256xf32, #tpu.memory_space<vmem>> -> memref<4x1024x256xf32, #tpu.memory_space<vmem>>
    %dma_wait3A_106 = arith.constant 0 : i32
    %dma_wait3A_107 = arith.constant 0 : i32
    %dma_wait3A_108 = arith.constant 0 : i32
    %dma_wait3A_109 = tpu.memref_slice %arg1[%dma_wait3A_106, %dma_wait3A_107, %dma_wait3A_108] : memref<8x1024x256xf32, #tpu.memory_space<hbm>> -> memref<4x1024x256xf32, #tpu.memory_space<hbm>>
    tpu.wait_dma2 semaphore(%dma_wait3A_100 : memref<!tpu.dma_semaphore, #tpu.memory_space<semaphore_mem>>) src(%dma_wait3A_109 : memref<4x1024x256xf32, #tpu.memory_space<hbm>>) dst(%dma_wait3A_105 : memref<4x1024x256xf32, #tpu.memory_space<vmem>>)
    %dma_start3A_110 = arith.constant 0 : i32
    %dma_start3A_111 = arith.constant 0 : i32
    %dma_start3A_112 = tpu.memref_slice %arg6[%dma_start3A_111] : memref<2x!tpu.dma_semaphore, #tpu.memory_space<semaphore_mem>> -> memref<1x!tpu.dma_semaphore, #tpu.memory_space<semaphore_mem>>
    %dma_start3A_113 = tpu.memref_squeeze %dma_start3A_112 : memref<1x!tpu.dma_semaphore, #tpu.memory_space<semaphore_mem>> -> memref<!tpu.dma_semaphore, #tpu.memory_space<semaphore_mem>>
    %dma_start3A_114 = arith.constant 0 : i32
    %dma_start3A_115 = arith.constant 0 : i32
    %dma_start3A_116 = arith.constant 0 : i32
    %dma_start3A_117 = tpu.memref_slice %arg2[%dma_start3A_114, %dma_start3A_115, %dma_start3A_116] : memref<8x2048x256xf32, #tpu.memory_space<hbm>> -> memref<4x1024x256xf32, #tpu.memory_space<hbm>>
    %dma_start3A_118 = arith.constant 0 : i32
    %dma_start3A_119 = arith.constant 0 : i32
    %dma_start3A_120 = arith.constant 0 : i32
    %dma_start3A_121 = tpu.memref_slice %arg3[%dma_start3A_110, %dma_start3A_118, %dma_start3A_119, %dma_start3A_120] : memref<2x4x1024x256xf32, #tpu.memory_space<vmem>> -> memref<1x4x1024x256xf32, #tpu.memory_space<vmem>>
    %dma_start3A_122 = tpu.memref_squeeze %dma_start3A_121 : memref<1x4x1024x256xf32, #tpu.memory_space<vmem>> -> memref<4x1024x256xf32, #tpu.memory_space<vmem>>
    tpu.enqueue_dma source(%dma_start3A_122 : memref<4x1024x256xf32, #tpu.memory_space<vmem>>) target(%dma_start3A_117 : memref<4x1024x256xf32, #tpu.memory_space<hbm>>) target_semaphore(%dma_start3A_113 : memref<!tpu.dma_semaphore, #tpu.memory_space<semaphore_mem>>)
    %dma_wait3A_123 = arith.constant 1 : i32
    %dma_wait3A_124 = arith.constant 1 : i32
    %dma_wait3A_125 = tpu.memref_slice %arg5[%dma_wait3A_124] : memref<2x!tpu.dma_semaphore, #tpu.memory_space<semaphore_mem>> -> memref<1x!tpu.dma_semaphore, #tpu.memory_space<semaphore_mem>>
    %dma_wait3A_126 = tpu.memref_squeeze %dma_wait3A_125 : memref<1x!tpu.dma_semaphore, #tpu.memory_space<semaphore_mem>> -> memref<!tpu.dma_semaphore, #tpu.memory_space<semaphore_mem>>
    %dma_wait3A_127 = arith.constant 0 : i32
    %dma_wait3A_128 = arith.constant 0 : i32
    %dma_wait3A_129 = arith.constant 0 : i32
    %dma_wait3A_130 = tpu.memref_slice %arg3[%dma_wait3A_123, %dma_wait3A_127, %dma_wait3A_128, %dma_wait3A_129] : memref<2x4x1024x256xf32, #tpu.memory_space<vmem>> -> memref<1x4x1024x256xf32, #tpu.memory_space<vmem>>
    %dma_wait3A_131 = tpu.memref_squeeze %dma_wait3A_130 : memref<1x4x1024x256xf32, #tpu.memory_space<vmem>> -> memref<4x1024x256xf32, #tpu.memory_space<vmem>>
    %dma_wait3A_132 = arith.constant 4 : i32
    %dma_wait3A_133 = arith.constant 0 : i32
    %dma_wait3A_134 = arith.constant 0 : i32
    %dma_wait3A_135 = tpu.memref_slice %arg1[%dma_wait3A_132, %dma_wait3A_133, %dma_wait3A_134] : memref<8x1024x256xf32, #tpu.memory_space<hbm>> -> memref<4x1024x256xf32, #tpu.memory_space<hbm>>
    tpu.wait_dma2 semaphore(%dma_wait3A_126 : memref<!tpu.dma_semaphore, #tpu.memory_space<semaphore_mem>>) src(%dma_wait3A_135 : memref<4x1024x256xf32, #tpu.memory_space<hbm>>) dst(%dma_wait3A_131 : memref<4x1024x256xf32, #tpu.memory_space<vmem>>)
    %dma_start3A_136 = arith.constant 1 : i32
    %dma_start3A_137 = arith.constant 1 : i32
    %dma_start3A_138 = tpu.memref_slice %arg6[%dma_start3A_137] : memref<2x!tpu.dma_semaphore, #tpu.memory_space<semaphore_mem>> -> memref<1x!tpu.dma_semaphore, #tpu.memory_space<semaphore_mem>>
    %dma_start3A_139 = tpu.memref_squeeze %dma_start3A_138 : memref<1x!tpu.dma_semaphore, #tpu.memory_space<semaphore_mem>> -> memref<!tpu.dma_semaphore, #tpu.memory_space<semaphore_mem>>
    %dma_start3A_140 = arith.constant 4 : i32
    %dma_start3A_141 = arith.constant 0 : i32
    %dma_start3A_142 = arith.constant 0 : i32
    %dma_start3A_143 = tpu.memref_slice %arg2[%dma_start3A_140, %dma_start3A_141, %dma_start3A_142] : memref<8x2048x256xf32, #tpu.memory_space<hbm>> -> memref<4x1024x256xf32, #tpu.memory_space<hbm>>
    %dma_start3A_144 = arith.constant 0 : i32
    %dma_start3A_145 = arith.constant 0 : i32
    %dma_start3A_146 = arith.constant 0 : i32
    %dma_start3A_147 = tpu.memref_slice %arg3[%dma_start3A_136, %dma_start3A_144, %dma_start3A_145, %dma_start3A_146] : memref<2x4x1024x256xf32, #tpu.memory_space<vmem>> -> memref<1x4x1024x256xf32, #tpu.memory_space<vmem>>
    %dma_start3A_148 = tpu.memref_squeeze %dma_start3A_147 : memref<1x4x1024x256xf32, #tpu.memory_space<vmem>> -> memref<4x1024x256xf32, #tpu.memory_space<vmem>>
    tpu.enqueue_dma source(%dma_start3A_148 : memref<4x1024x256xf32, #tpu.memory_space<vmem>>) target(%dma_start3A_143 : memref<4x1024x256xf32, #tpu.memory_space<hbm>>) target_semaphore(%dma_start3A_139 : memref<!tpu.dma_semaphore, #tpu.memory_space<semaphore_mem>>)
    %dma_wait3A_149 = arith.constant 0 : i32
    %dma_wait3A_150 = arith.constant 0 : i32
    %dma_wait3A_151 = tpu.memref_slice %arg6[%dma_wait3A_150] : memref<2x!tpu.dma_semaphore, #tpu.memory_space<semaphore_mem>> -> memref<1x!tpu.dma_semaphore, #tpu.memory_space<semaphore_mem>>
    %dma_wait3A_152 = tpu.memref_squeeze %dma_wait3A_151 : memref<1x!tpu.dma_semaphore, #tpu.memory_space<semaphore_mem>> -> memref<!tpu.dma_semaphore, #tpu.memory_space<semaphore_mem>>
    %dma_wait3A_153 = arith.constant 0 : i32
    %dma_wait3A_154 = arith.constant 0 : i32
    %dma_wait3A_155 = arith.constant 0 : i32
    %dma_wait3A_156 = tpu.memref_slice %arg2[%dma_wait3A_153, %dma_wait3A_154, %dma_wait3A_155] : memref<8x2048x256xf32, #tpu.memory_space<hbm>> -> memref<4x1024x256xf32, #tpu.memory_space<hbm>>
    %dma_wait3A_157 = arith.constant 0 : i32
    %dma_wait3A_158 = arith.constant 0 : i32
    %dma_wait3A_159 = arith.constant 0 : i32
    %dma_wait3A_160 = tpu.memref_slice %arg3[%dma_wait3A_149, %dma_wait3A_157, %dma_wait3A_158, %dma_wait3A_159] : memref<2x4x1024x256xf32, #tpu.memory_space<vmem>> -> memref<1x4x1024x256xf32, #tpu.memory_space<vmem>>
    %dma_wait3A_161 = tpu.memref_squeeze %dma_wait3A_160 : memref<1x4x1024x256xf32, #tpu.memory_space<vmem>> -> memref<4x1024x256xf32, #tpu.memory_space<vmem>>
    tpu.wait_dma2 semaphore(%dma_wait3A_152 : memref<!tpu.dma_semaphore, #tpu.memory_space<semaphore_mem>>) src(%dma_wait3A_161 : memref<4x1024x256xf32, #tpu.memory_space<vmem>>) dst(%dma_wait3A_156 : memref<4x1024x256xf32, #tpu.memory_space<hbm>>)
    %dma_wait3A_162 = arith.constant 1 : i32
    %dma_wait3A_163 = arith.constant 1 : i32
    %dma_wait3A_164 = tpu.memref_slice %arg6[%dma_wait3A_163] : memref<2x!tpu.dma_semaphore, #tpu.memory_space<semaphore_mem>> -> memref<1x!tpu.dma_semaphore, #tpu.memory_space<semaphore_mem>>
    %dma_wait3A_165 = tpu.memref_squeeze %dma_wait3A_164 : memref<1x!tpu.dma_semaphore, #tpu.memory_space<semaphore_mem>> -> memref<!tpu.dma_semaphore, #tpu.memory_space<semaphore_mem>>
    %dma_wait3A_166 = arith.constant 4 : i32
    %dma_wait3A_167 = arith.constant 0 : i32
    %dma_wait3A_168 = arith.constant 0 : i32
    %dma_wait3A_169 = tpu.memref_slice %arg2[%dma_wait3A_166, %dma_wait3A_167, %dma_wait3A_168] : memref<8x2048x256xf32, #tpu.memory_space<hbm>> -> memref<4x1024x256xf32, #tpu.memory_space<hbm>>
    %dma_wait3A_170 = arith.constant 0 : i32
    %dma_wait3A_171 = arith.constant 0 : i32
    %dma_wait3A_172 = arith.constant 0 : i32
    %dma_wait3A_173 = tpu.memref_slice %arg3[%dma_wait3A_162, %dma_wait3A_170, %dma_wait3A_171, %dma_wait3A_172] : memref<2x4x1024x256xf32, #tpu.memory_space<vmem>> -> memref<1x4x1024x256xf32, #tpu.memory_space<vmem>>
    %dma_wait3A_174 = tpu.memref_squeeze %dma_wait3A_173 : memref<1x4x1024x256xf32, #tpu.memory_space<vmem>> -> memref<4x1024x256xf32, #tpu.memory_space<vmem>>
    tpu.wait_dma2 semaphore(%dma_wait3A_165 : memref<!tpu.dma_semaphore, #tpu.memory_space<semaphore_mem>>) src(%dma_wait3A_174 : memref<4x1024x256xf32, #tpu.memory_space<vmem>>) dst(%dma_wait3A_169 : memref<4x1024x256xf32, #tpu.memory_space<hbm>>)
    %dma_wait3A_175 = arith.constant 0 : i32
    %dma_wait3A_176 = arith.constant 0 : i32
    %dma_wait3A_177 = tpu.memref_slice %arg7[%dma_wait3A_176] : memref<8x!tpu.dma_semaphore, #tpu.memory_space<semaphore_mem>> -> memref<1x!tpu.dma_semaphore, #tpu.memory_space<semaphore_mem>>
    %dma_wait3A_178 = tpu.memref_squeeze %dma_wait3A_177 : memref<1x!tpu.dma_semaphore, #tpu.memory_space<semaphore_mem>> -> memref<!tpu.dma_semaphore, #tpu.memory_space<semaphore_mem>>
    %dma_wait3A_179 = arith.constant 1024 : i32
    %dma_wait3A_180 = arith.constant 0 : i32
    %dma_wait3A_181 = tpu.memref_slice %arg2[%dma_wait3A_175, %dma_wait3A_179, %dma_wait3A_180] : memref<8x2048x256xf32, #tpu.memory_space<hbm>> -> memref<1x1024x256xf32, #tpu.memory_space<hbm>>
    %dma_wait3A_182 = tpu.memref_squeeze %dma_wait3A_181 : memref<1x1024x256xf32, #tpu.memory_space<hbm>> -> memref<1024x256xf32, #tpu.memory_space<hbm>>
    tpu.wait_dma2 semaphore(%dma_wait3A_178 : memref<!tpu.dma_semaphore, #tpu.memory_space<semaphore_mem>>) src(%arg4 : memref<1024x256xf32, #tpu.memory_space<vmem>>) dst(%dma_wait3A_182 : memref<1024x256xf32, #tpu.memory_space<hbm>>)
    %dma_wait3A_183 = arith.constant 1 : i32
    %dma_wait3A_184 = arith.constant 1 : i32
    %dma_wait3A_185 = tpu.memref_slice %arg7[%dma_wait3A_184] : memref<8x!tpu.dma_semaphore, #tpu.memory_space<semaphore_mem>> -> memref<1x!tpu.dma_semaphore, #tpu.memory_space<semaphore_mem>>
    %dma_wait3A_186 = tpu.memref_squeeze %dma_wait3A_185 : memref<1x!tpu.dma_semaphore, #tpu.memory_space<semaphore_mem>> -> memref<!tpu.dma_semaphore, #tpu.memory_space<semaphore_mem>>
    %dma_wait3A_187 = arith.constant 1024 : i32
    %dma_wait3A_188 = arith.constant 0 : i32
    %dma_wait3A_189 = tpu.memref_slice %arg2[%dma_wait3A_183, %dma_wait3A_187, %dma_wait3A_188] : memref<8x2048x256xf32, #tpu.memory_space<hbm>> -> memref<1x1024x256xf32, #tpu.memory_space<hbm>>
    %dma_wait3A_190 = tpu.memref_squeeze %dma_wait3A_189 : memref<1x1024x256xf32, #tpu.memory_space<hbm>> -> memref<1024x256xf32, #tpu.memory_space<hbm>>
    tpu.wait_dma2 semaphore(%dma_wait3A_186 : memref<!tpu.dma_semaphore, #tpu.memory_space<semaphore_mem>>) src(%arg4 : memref<1024x256xf32, #tpu.memory_space<vmem>>) dst(%dma_wait3A_190 : memref<1024x256xf32, #tpu.memory_space<hbm>>)
    %dma_wait3A_191 = arith.constant 2 : i32
    %dma_wait3A_192 = arith.constant 2 : i32
    %dma_wait3A_193 = tpu.memref_slice %arg7[%dma_wait3A_192] : memref<8x!tpu.dma_semaphore, #tpu.memory_space<semaphore_mem>> -> memref<1x!tpu.dma_semaphore, #tpu.memory_space<semaphore_mem>>
    %dma_wait3A_194 = tpu.memref_squeeze %dma_wait3A_193 : memref<1x!tpu.dma_semaphore, #tpu.memory_space<semaphore_mem>> -> memref<!tpu.dma_semaphore, #tpu.memory_space<semaphore_mem>>
    %dma_wait3A_195 = arith.constant 1024 : i32
    %dma_wait3A_196 = arith.constant 0 : i32
    %dma_wait3A_197 = tpu.memref_slice %arg2[%dma_wait3A_191, %dma_wait3A_195, %dma_wait3A_196] : memref<8x2048x256xf32, #tpu.memory_space<hbm>> -> memref<1x1024x256xf32, #tpu.memory_space<hbm>>
    %dma_wait3A_198 = tpu.memref_squeeze %dma_wait3A_197 : memref<1x1024x256xf32, #tpu.memory_space<hbm>> -> memref<1024x256xf32, #tpu.memory_space<hbm>>
    tpu.wait_dma2 semaphore(%dma_wait3A_194 : memref<!tpu.dma_semaphore, #tpu.memory_space<semaphore_mem>>) src(%arg4 : memref<1024x256xf32, #tpu.memory_space<vmem>>) dst(%dma_wait3A_198 : memref<1024x256xf32, #tpu.memory_space<hbm>>)
    %dma_wait3A_199 = arith.constant 3 : i32
    %dma_wait3A_200 = arith.constant 3 : i32
    %dma_wait3A_201 = tpu.memref_slice %arg7[%dma_wait3A_200] : memref<8x!tpu.dma_semaphore, #tpu.memory_space<semaphore_mem>> -> memref<1x!tpu.dma_semaphore, #tpu.memory_space<semaphore_mem>>
    %dma_wait3A_202 = tpu.memref_squeeze %dma_wait3A_201 : memref<1x!tpu.dma_semaphore, #tpu.memory_space<semaphore_mem>> -> memref<!tpu.dma_semaphore, #tpu.memory_space<semaphore_mem>>
    %dma_wait3A_203 = arith.constant 1024 : i32
    %dma_wait3A_204 = arith.constant 0 : i32
    %dma_wait3A_205 = tpu.memref_slice %arg2[%dma_wait3A_199, %dma_wait3A_203, %dma_wait3A_204] : memref<8x2048x256xf32, #tpu.memory_space<hbm>> -> memref<1x1024x256xf32, #tpu.memory_space<hbm>>
    %dma_wait3A_206 = tpu.memref_squeeze %dma_wait3A_205 : memref<1x1024x256xf32, #tpu.memory_space<hbm>> -> memref<1024x256xf32, #tpu.memory_space<hbm>>
    tpu.wait_dma2 semaphore(%dma_wait3A_202 : memref<!tpu.dma_semaphore, #tpu.memory_space<semaphore_mem>>) src(%arg4 : memref<1024x256xf32, #tpu.memory_space<vmem>>) dst(%dma_wait3A_206 : memref<1024x256xf32, #tpu.memory_space<hbm>>)
    %dma_wait3A_207 = arith.constant 4 : i32
    %dma_wait3A_208 = arith.constant 4 : i32
    %dma_wait3A_209 = tpu.memref_slice %arg7[%dma_wait3A_208] : memref<8x!tpu.dma_semaphore, #tpu.memory_space<semaphore_mem>> -> memref<1x!tpu.dma_semaphore, #tpu.memory_space<semaphore_mem>>
    %dma_wait3A_210 = tpu.memref_squeeze %dma_wait3A_209 : memref<1x!tpu.dma_semaphore, #tpu.memory_space<semaphore_mem>> -> memref<!tpu.dma_semaphore, #tpu.memory_space<semaphore_mem>>
    %dma_wait3A_211 = arith.constant 1024 : i32
    %dma_wait3A_212 = arith.constant 0 : i32
    %dma_wait3A_213 = tpu.memref_slice %arg2[%dma_wait3A_207, %dma_wait3A_211, %dma_wait3A_212] : memref<8x2048x256xf32, #tpu.memory_space<hbm>> -> memref<1x1024x256xf32, #tpu.memory_space<hbm>>
    %dma_wait3A_214 = tpu.memref_squeeze %dma_wait3A_213 : memref<1x1024x256xf32, #tpu.memory_space<hbm>> -> memref<1024x256xf32, #tpu.memory_space<hbm>>
    tpu.wait_dma2 semaphore(%dma_wait3A_210 : memref<!tpu.dma_semaphore, #tpu.memory_space<semaphore_mem>>) src(%arg4 : memref<1024x256xf32, #tpu.memory_space<vmem>>) dst(%dma_wait3A_214 : memref<1024x256xf32, #tpu.memory_space<hbm>>)
    %dma_wait3A_215 = arith.constant 5 : i32
    %dma_wait3A_216 = arith.constant 5 : i32
    %dma_wait3A_217 = tpu.memref_slice %arg7[%dma_wait3A_216] : memref<8x!tpu.dma_semaphore, #tpu.memory_space<semaphore_mem>> -> memref<1x!tpu.dma_semaphore, #tpu.memory_space<semaphore_mem>>
    %dma_wait3A_218 = tpu.memref_squeeze %dma_wait3A_217 : memref<1x!tpu.dma_semaphore, #tpu.memory_space<semaphore_mem>> -> memref<!tpu.dma_semaphore, #tpu.memory_space<semaphore_mem>>
    %dma_wait3A_219 = arith.constant 1024 : i32
    %dma_wait3A_220 = arith.constant 0 : i32
    %dma_wait3A_221 = tpu.memref_slice %arg2[%dma_wait3A_215, %dma_wait3A_219, %dma_wait3A_220] : memref<8x2048x256xf32, #tpu.memory_space<hbm>> -> memref<1x1024x256xf32, #tpu.memory_space<hbm>>
    %dma_wait3A_222 = tpu.memref_squeeze %dma_wait3A_221 : memref<1x1024x256xf32, #tpu.memory_space<hbm>> -> memref<1024x256xf32, #tpu.memory_space<hbm>>
    tpu.wait_dma2 semaphore(%dma_wait3A_218 : memref<!tpu.dma_semaphore, #tpu.memory_space<semaphore_mem>>) src(%arg4 : memref<1024x256xf32, #tpu.memory_space<vmem>>) dst(%dma_wait3A_222 : memref<1024x256xf32, #tpu.memory_space<hbm>>)
    %dma_wait3A_223 = arith.constant 6 : i32
    %dma_wait3A_224 = arith.constant 6 : i32
    %dma_wait3A_225 = tpu.memref_slice %arg7[%dma_wait3A_224] : memref<8x!tpu.dma_semaphore, #tpu.memory_space<semaphore_mem>> -> memref<1x!tpu.dma_semaphore, #tpu.memory_space<semaphore_mem>>
    %dma_wait3A_226 = tpu.memref_squeeze %dma_wait3A_225 : memref<1x!tpu.dma_semaphore, #tpu.memory_space<semaphore_mem>> -> memref<!tpu.dma_semaphore, #tpu.memory_space<semaphore_mem>>
    %dma_wait3A_227 = arith.constant 1024 : i32
    %dma_wait3A_228 = arith.constant 0 : i32
    %dma_wait3A_229 = tpu.memref_slice %arg2[%dma_wait3A_223, %dma_wait3A_227, %dma_wait3A_228] : memref<8x2048x256xf32, #tpu.memory_space<hbm>> -> memref<1x1024x256xf32, #tpu.memory_space<hbm>>
    %dma_wait3A_230 = tpu.memref_squeeze %dma_wait3A_229 : memref<1x1024x256xf32, #tpu.memory_space<hbm>> -> memref<1024x256xf32, #tpu.memory_space<hbm>>
    tpu.wait_dma2 semaphore(%dma_wait3A_226 : memref<!tpu.dma_semaphore, #tpu.memory_space<semaphore_mem>>) src(%arg4 : memref<1024x256xf32, #tpu.memory_space<vmem>>) dst(%dma_wait3A_230 : memref<1024x256xf32, #tpu.memory_space<hbm>>)
    %dma_wait3A_231 = arith.constant 7 : i32
    %dma_wait3A_232 = arith.constant 7 : i32
    %dma_wait3A_233 = tpu.memref_slice %arg7[%dma_wait3A_232] : memref<8x!tpu.dma_semaphore, #tpu.memory_space<semaphore_mem>> -> memref<1x!tpu.dma_semaphore, #tpu.memory_space<semaphore_mem>>
    %dma_wait3A_234 = tpu.memref_squeeze %dma_wait3A_233 : memref<1x!tpu.dma_semaphore, #tpu.memory_space<semaphore_mem>> -> memref<!tpu.dma_semaphore, #tpu.memory_space<semaphore_mem>>
    %dma_wait3A_235 = arith.constant 1024 : i32
    %dma_wait3A_236 = arith.constant 0 : i32
    %dma_wait3A_237 = tpu.memref_slice %arg2[%dma_wait3A_231, %dma_wait3A_235, %dma_wait3A_236] : memref<8x2048x256xf32, #tpu.memory_space<hbm>> -> memref<1x1024x256xf32, #tpu.memory_space<hbm>>
    %dma_wait3A_238 = tpu.memref_squeeze %dma_wait3A_237 : memref<1x1024x256xf32, #tpu.memory_space<hbm>> -> memref<1024x256xf32, #tpu.memory_space<hbm>>
    tpu.wait_dma2 semaphore(%dma_wait3A_234 : memref<!tpu.dma_semaphore, #tpu.memory_space<semaphore_mem>>) src(%arg4 : memref<1024x256xf32, #tpu.memory_space<vmem>>) dst(%dma_wait3A_238 : memref<1024x256xf32, #tpu.memory_space<hbm>>)
    return
  }
}

</mosaic_0001>

<sc_bundles>
// kernel: kernel.4.cloned.1.call-start
scs
__scs_entry_jumppad:
0x0: {  	(pc) =	sbr.rel $0x88, $3  }
0x1: {  	(tag) =	ssettag $0x0;
	lr =	simm.s32 $0x1  }
0x2: {  	[smem:$0x3FA0] =	sst lr;
	_ =	strace $0xD0000000  }
0x3: {  	_ = 	snop  }
0x4: {  	_ = 	snop  }
0x5: {  	_ = 	snop  }
0x6: {  	_ = 	snop  }
0x7: {  	_ = 	snop  }
__scs_overlays_trampoline_lowered:
0x8: {  	[smem:$0x3FAF] =	sst s0  }
0x9: {  	[smem:$0x3FB0] =	sst s1  }
0xa: {  	[smem:$0x3FB1] =	sst s2  }
0xb: {  	[smem:$0x3FB2] =	sst s3  }
0xc: {  	[smem:$0x3FB3] =	sst s4  }
0xd: {  	[smem:$0x3FB4] =	sst s5  }
0xe: {  	[smem:$0x3FB5] =	sst s6  }
0xf: {  	[smem:$0x3FB6] =	sst s7  }
0x10: {  	[smem:$0x3FB7] =	sst s8  }
0x11: {  	[smem:$0x3FB8] =	sst s9;
	s0 =	simm.s32 @!p0 $0x0  }
0x12: {  	s1 =	sld [smem:$0x3F9E];
	s0 =	simm.s32 @p0 $0x1  }
0x13: {  	[smem:$0x3FB9] =	sst s0;
	s0 =	simm.s32 @!p1 $0x0  }
0x14: {  	s2 =	sld [smem:$0x3F9D];
	s0 =	simm.s32 @p1 $0x1  }
0x15: {  	[smem:$0x3FBA] =	sst s0;
	s0 =	simm.s32 @!p2 $0x0  }
0x16: {  	s3 =	sld [smem:$0x3FDB];
	s0 =	simm.s32 @p2 $0x1  }
0x17: {  	s4 =	simm.s32 $0x1BF5;
	[smem:$0x3FBC] =	sst s0  }
0x18: {  	s0 =	sld [smem:$0x3F9F];
	_ =	swait.ge [sflag:s4], $0x0  }
0x19: {  	s7 =	sld [smem:$0x3FA0]  }
0x1a: {  	s8 =	sadd.s32 $0xFFFFE003, lr  }
0x1b: {  	s9 =	sadd.s32 $0xFFFFFEF7, lr;
	s5 =	simm.s32 $0xFFFFFFFF;
	p2 =	slt.u32 s8, $0xFFFFF086  }
0x1c: {  	p1 =	slt.u32 s9, $0xF7A;
	s5 =	simm.s32 @!p2 $0x0  }
0x1d: {  	s5 =	simm.s32 @p1 $0x1;
	p0 =	seq.s32 s7, s2  }
0x1e: {  	s7 =	smul.u32 @!p0 $0xF7A, s2;
	p2 =	seq.s32 @!p0 s5, $0x0  }
0x1f: {  	s9 =	smul.u32 $0xF7A, s1;
	s8 =	simm.s32 @!p0 $0x1BF5;
	p2 =	por !p2, p0  }
0x20: {  	[sflag:s8] =	ssyncset.s32 @!p0 $0xFFFFF086;
	s6 =	sadd.s32 @!p0 s3, s7;
	s7 =	simm.s32 @!p0 $0x108  }
0x21: {  	s3 =	sadd.s32 s3, s9;
	s6 =	sadd.s32 @!p0 $0x88, s6;
	s7 =	simm.s32 @p2 $0x1082  }
0x22: {  	[simem:s7], [sflag:s8] =	dma.local @!p0 [hbm:s6], $0xF7A  }
0x23: {  	s9 =	sor.u32 $0xD0000000, s2;
	s6 =	simm.s32 $0x108;
	_ =	swait.ge @!p0 [sflag:s8], $0x0  }
0x24: {  	s3 =	sadd.s32 $0x88, s3;
	s6 =	simm.s32 @!p1 $0x1082;
	[sflag:s4] =	ssyncset.s32 $0xFFFFF086  }
0x25: {  	[simem:s6], [sflag:s4] =	dma.local [hbm:s3], $0xF7A  }
0x26: {  	[smem:$0x3FA0] =	sst s1;
	(tag) =	ssettag s2;
	_ =	strace s9  }
0x27: {  	s1 =	sld [smem:$0x3FB0]  }
0x28: {  	s2 =	sld [smem:$0x3FB1]  }
0x29: {  	s4 =	sld [smem:$0x3FB3]  }
0x2a: {  	p0 =	seq.s32 s5, $0x0;
	s5 =	sld [smem:$0x3FB4]  }
0x2b: {  	s6 =	sld [smem:$0x3FB5]  }
0x2c: {  	s7 =	sld [smem:$0x3FB6]  }
0x2d: {  	s3 =	simm.s32 $0x108;
	s8 =	sld [smem:$0x3FB7]  }
0x2e: {  	s3 =	simm.s32 @!p0 $0x1082;
	s9 =	sld [smem:$0x3FB8]  }
0x2f: {  	lr =	sadd.s32 s0, s3;
	s0 =	sld [smem:$0x3FAF]  }
0x30: {  	s3 =	sld [smem:$0x3FB2]  }
0x31: {  	[smem:$0x3FBB] =	sst s10  }
0x32: {  	s10 =	sld [smem:$0x3FB9];
	_ =	sdelay $0x3  }
0x33: {  	p0 =	seq.s32 s10, $0x1;
	s10 =	sld [smem:$0x3FBB];
	_ =	sdelay $0x3  }
0x34: {  	[smem:$0x3FBB] =	sst s10  }
0x35: {  	s10 =	sld [smem:$0x3FBA];
	_ =	sdelay $0x3  }
0x36: {  	p1 =	seq.s32 s10, $0x1;
	s10 =	sld [smem:$0x3FBB];
	_ =	sdelay $0x3  }
0x37: {  	[smem:$0x3FBB] =	sst s10  }
0x38: {  	s10 =	sld [smem:$0x3FBC]  }
0x39: {  	_ = 	snop;
	(pc) =	sbr.ind lr, $3  }
0x3a: {  	_ = 	snop  }
0x3b: {  	_ = 	snop  }
0x3c: {  	p2 =	seq.s32 s10, $0x1;
	s10 =	sld [smem:$0x3FBB]  }
0x3d: {  	_ =	shalt  }
0x3e: {  	_ =	shalt  }
0x3f: {  	_ =	shalt  }
0x40: {  	_ =	shalt  }
0x41: {  	_ =	shalt  }
0x42: {  	_ =	shalt  }
0x43: {  	_ =	shalt  }
0x44: {  	_ =	shalt  }
0x45: {  	_ =	shalt  }
0x46: {  	_ =	shalt  }
0x47: {  	_ =	shalt  }
0x48: {  	_ =	shalt  }
0x49: {  	_ =	shalt  }
0x4a: {  	_ =	shalt  }
0x4b: {  	_ =	shalt  }
0x4c: {  	_ =	shalt  }
0x4d: {  	_ =	shalt  }
0x4e: {  	_ =	shalt  }
0x4f: {  	_ =	shalt  }
0x50: {  	_ =	shalt  }
0x51: {  	_ =	shalt  }
0x52: {  	_ =	shalt  }
0x53: {  	_ =	shalt  }
0x54: {  	_ =	shalt  }
0x55: {  	_ =	shalt  }
0x56: {  	_ =	shalt  }
0x57: {  	_ =	shalt  }
0x58: {  	_ =	shalt  }
0x59: {  	_ =	shalt  }
0x5a: {  	_ =	shalt  }
0x5b: {  	_ =	shalt  }
0x5c: {  	_ =	shalt  }
0x5d: {  	_ =	shalt  }
0x5e: {  	_ =	shalt  }
0x5f: {  	_ =	shalt  }
0x60: {  	_ =	shalt  }
0x61: {  	_ =	shalt  }
0x62: {  	_ =	shalt  }
0x63: {  	_ =	shalt  }
0x64: {  	_ =	shalt  }
0x65: {  	_ =	shalt  }
0x66: {  	_ =	shalt  }
0x67: {  	_ =	shalt  }
0x68: {  	_ =	shalt  }
0x69: {  	_ =	shalt  }
0x6a: {  	_ =	shalt  }
0x6b: {  	_ =	shalt  }
0x6c: {  	_ =	shalt  }
0x6d: {  	_ =	shalt  }
0x6e: {  	_ =	shalt  }
0x6f: {  	_ =	shalt  }
0x70: {  	_ =	shalt  }
0x71: {  	_ =	shalt  }
0x72: {  	_ =	shalt  }
0x73: {  	_ =	shalt  }
0x74: {  	_ =	shalt  }
0x75: {  	_ =	shalt  }
0x76: {  	_ =	shalt  }
0x77: {  	_ =	shalt  }
0x78: {  	_ =	shalt  }
0x79: {  	_ =	shalt  }
0x7a: {  	_ =	shalt  }
0x7b: {  	_ =	shalt  }
0x7c: {  	_ =	shalt  }
0x7d: {  	_ =	shalt  }
0x7e: {  	_ =	shalt  }
0x7f: {  	_ =	shalt  }
0x80: {  	_ =	shalt  }
0x81: {  	_ =	shalt  }
0x82: {  	_ =	shalt  }
0x83: {  	_ =	shalt  }
0x84: {  	_ =	shalt  }
0x85: {  	_ =	shalt  }
0x86: {  	_ =	shalt  }
0x87: {  	_ =	shalt  }
.Lfunc_end0:
.L_simem_size_0:
called_computation_lowered:
.L_overlay_start_0:
0x88: {  	s2 =	sld [smem:$0x3FD9]  }
0x89: {  	s3 =	sld [smem:$0x3FFE];
	_ =	sdelay $0x1  }
0x8a: {  	s1 =	srdreg.scid  }
0x8b: {  	s0 =	sand.u32 $0x1, s1  }
0x8c: {  	s18 =	sshll.u32 s0, $0xA;
	s2 =	sadd.s32 s3, s2  }
0x8d: {  	s2 =	sadd.s32 s2, s18  }
0x8e: {  	[smem:$0x3FC7] =	sst s2  }
0x8f: {  	_ = 	snop  }
0x90: {  	s2 =	sld [smem:$0x3FC9]  }
0x91: {  	s19 =	sld [smem:$0x3FD0];
	(tm) =	ssettm $0x1  }
0x92: {  	s4 =	sld [smem:$0x3FFB];
	_ =	sdelay $0x3  }
0x93: {  	_ =	strace s4  }
0x94: {  	s4 =	sld [smem:$0x3FFC];
	_ =	sdelay $0x3  }
0x95: {  	_ =	strace s4  }
0x96: {  	s4 =	sld [smem:$0x3FFD];
	_ =	sdelay $0x3  }
0x97: {  	_ =	strace s4  }
0x98: {  	_ =	strace $0x8FFFFFFF  }
0x99: {  	s20 =	sld [smem:$0x3FDB];
	_ =	sdelay $0x1  }
0x9a: {  	s5 =	simm.s32 $_scs_section_size  }
0x9b: {  	s6 =	simm.s32 $_size__tile_overlayer_lowered;
	s7 =	simm.s32 $_tile_overlayer_lowered  }
0x9c: {  	s23 =	simm.s32 $0x1BFF;
	s22 =	sshll.u32 s7, $0x1;
	s4 =	sadd.s32 s5, s20  }
0x9d: {  	s8 =	simm.s32 $0x0;
	s21 =	sshll.u32 s6, $0x1;
	s6 =	sadd.s32 s22, s4  }
0x9e: {  	[timem:s8], [sflag:s23] =	dma.local [hbm:s6], s21  }
0x9f: {  	_ =	swait.ge [sflag:s23], s21  }
0xa0: {  	s5 =	ssub.s32 $0x0, s21;
	[sflag:s23] =	ssyncset.done $0x0  }
0xa1: {  	[sflag:s23] =	ssyncadd.s32 s5;
	_ =	sdelay $0x1  }
0xa2: {  	s24 =	simm.s32 $0x1B8B  }
0xa3: {  	_ =	swait.ge [sflag:s24], $0x1  }
0xa4: {  	[sflag:s24] =	ssyncset.done $0x0  }
0xa5: {  	s25 =	simm.s32 $0x1B8E;
	[sflag:s24] =	ssyncadd.s32 $0xFFFFFFFF  }
0xa6: {  	s26 =	simm.s32 $execute0_lowered;
	[smem:$0x3FD2] =	sst s25  }
0xa7: {  	s5 =	sshll.u32 s26, $0x1;
	_ =	strace $0x80000046;
	[dreg:$0x1] =	wrdreg $0xFFFFFFFF  }
0xa8: {  	s28 =	simm.s32 $_size_execute0_lowered;
	s4 =	sadd.s32 s4, s5;
	[dreg:$0x0] =	wrdreg $0x0  }
0xa9: {  	s5 =	sshll.u32 s28, $0x1;
	[dreg:$0x2] =	wrdreg s4  }
0xaa: {  	[dreg:$0x3] =	wrdreg s5  }
0xab: {  	[dreg:$0x4] =	wrdreg $0xC0  }
0xac: {  	_ =	task [dreg:s8], $0x5FFFF  }
0xad: {  	[dreg:$0x1] =	wrdreg $0xFFFFFFFF  }
0xae: {  	[dreg:$0x0] =	wrdreg $0x60  }
0xaf: {  	[dreg:$0x2] =	wrdreg s2  }
0xb0: {  	[dreg:$0x3] =	wrdreg s19  }
0xb1: {  	[dreg:$0x4] =	wrdreg $0x9  }
0xb2: {  	_ =	task.clear_ibuf [dreg:s8], $0x5FFFF;
	_ =	strace $0x90000046  }
0xb3: {  	s29 =	simm.s32 $0x9;
	_ =	strace $0x80000048  }
0xb4: {  	_ =	swait.ge [sflag:s29], $0x1  }
0xb5: {  	[sflag:s29] =	ssyncadd.s32 $0xFFFFFFFF  }
0xb6: {  	_ =	strace $0x90000048  }
0xb7: {  	_ =	sfence  }
0xb8: {  	s30 =	sld [smem:$0x0];
	_ =	sdelay $0x2  }
0xb9: {  	s31 =	sshll.u32 s1, $0xD;
	s1 =	sshrl.u32 s1, $0x2  }
0xba: {  	s3 =	sand.u32 $0x4000, s31;
	s1 =	sadd.s32 s1, s30  }
0xbb: {  	s0 =	sor.u32 s3, s0;
	s1 =	sshll.u32 s1, $0x11  }
0xbc: {  	s0 =	sor.u32 s1, s0  }
0xbd: {  	s0 =	sadd.s32 $0x8F2B, s0  }
0xbe: {  	[sflag:s0] =	ssyncadd.remote.s32 $0x1  }
0xbf: {  	_ =	sfence.sel $0xFFFF  }
0xc0: {  	[dreg:$0x0] =	wrdreg $0xFFFFFFFF;
	(pc) =	sbr.abs _section_cstart, $3  }
0xc1: {  	[dreg:$0x1] =	wrdreg $0xFFFFFFFF  }
0xc2: {  	_ =	task.clear_ibuf [dreg:s8], $0x2FFFF;
	_ =	strace $0x9FFFFFFF  }
0xc3: {  	(tm) =	ssettm $0x7FFFFFFF  }
tec
execute0_lowered:
.L_overlay_start_1:
0x0: {  	(tag) =	ssettag $0x1  }
0x1: {  	s3 =	rddreg [dreg:$0x0]  }
0x2: {  	s1 =	srdreg.scid;
	s0 =	stileid.u32  }
0x3: {  	s5 =	rddreg [dreg:$0x1];
	s2 =	simm.s32 $0x0;
	s10 =	simm.s32 $0x10000  }
0x4: {  	s11 =	simm.s32 $0x3;
	s4 =	sand.u32 $0x1, s1;
	s1 =	rddreg [dreg:$0x2]  }
0x5: {  	s12 =	simm.s32 $0x0;
	s6 =	sshll.u32 s0, $0x1;
	[smem:$0x7FF] =	sst s2  }
0x6: {  	s7 =	sshll.u32 s0, $0xE;
	s6 =	sor.u32 s4, s6;
	s4 =	ssub.s32 $0x2, s4  }
0x7: {  	s7 =	sand.u32 $0x38000, s7;
	_ =	strace $0x80000047;
	s8 =	sshll.u32 s6, $0xD  }
0x8: {  	s9 =	sshrl.u32 s4, $0x1;
	s6 =	sshll.u32 s6, $0x4;
	s8 =	sand.u32 $0x6000, s8  }
0x9: {  	s31 =	ssub.s32 s4, s9;
	s5 =	sadd.s32 s5, s6;
	s7 =	sor.u32 s7, s8  }
0xa: {  	s9 =	simm.s32 $0x2;
	s6 =	smax.u32 s31, $0x1;
	s3 =	sadd.s32 s3, s7  }
0xb: {  	s8 =	simm.s32 $0x8000;
	s7 =	simm.s32 $0x1;
	s4 =	sadd.s32 $0x1000, s3  }
.LBB2_1:
0xc: {  	[tilespmem:s2], [sflag:$0x1] =	stream.linear.gather [hbm4b:s3+s2], $0x8000, $0x38;
	[tilespmem:$0x10080] =	vst v63  }
0xd: {  	_ =	swait.ge [sflag:s7], $0x8000  }
0xe: {  	s13 =	sand.u32 $0x7800, s2;
	s14 =	sand.u32 $0x380, s2;
	[sflag:s7] =	ssyncset.done $0x0  }
0xf: {  	s13 =	sor.u32 s14, s13;
	[sflag:s7] =	ssyncadd.s32 $0xFFFF8000  }
0x10: {  	[tilespmem:s8], [sflag:$0x2] =	stream.linear.gather [hbm4b:s4+s2], $0x8000, $0x38;
	[tilespmem:$0x10080] =	vst v63  }
0x11: {  	v4 =	vld [tilespmem:s13+$0x400]  }
0x12: {  	v5 =	vld [tilespmem:s13+$0x410]  }
0x13: {  	v2 =	vld [tilespmem:s13+$0x420]  }
0x14: {  	v3 =	vld [tilespmem:s13+$0x430]  }
0x15: {  	v6 =	vld [tilespmem:s13+$0x440]  }
0x16: {  	v0 =	vld [tilespmem:s13+$0x450]  }
0x17: {  	v1 =	vld [tilespmem:s13+$0x460]  }
0x18: {  	v26 =	vld [tilespmem:s13+$0x0]  }
0x19: {  	v27 =	vld [tilespmem:s13+$0x10]  }
0x1a: {  	v23 =	vld [tilespmem:s13+$0x20]  }
0x1b: {  	v20 =	vimm.f32 $+Inf;
	v21 =	vimm.f32 $+Inf;
	v24 =	vld [tilespmem:s13+$0x30]  }
0x1c: {  	v17 =	vimm.f32 $+Inf;
	v18 =	vimm.f32 $+Inf;
	v19 =	vimm.f32 $+Inf;
	v25 =	vld [tilespmem:s13+$0x40]  }
0x1d: {  	s15 =	simm.s32 $0x0;
	v14 =	vimm.f32 $+Inf;
	v15 =	vimm.f32 $+Inf;
	v16 =	vimm.f32 $+Inf;
	s14 =	simm.s32 $0x100;
	v22 =	vld [tilespmem:s13+$0x50]  }
.LBB2_2:
0x1e: {  	p0 =	sne.s32 s14, $0x7F00;
	v7 =	vld [tilespmem:s13+$0x60];
	s15 =	sadd.s32 $0x80, s15  }
0x1f: {  	s16 =	sand.u32 $0x7800, s14;
	s17 =	sand.u32 $0x380, s15;
	v8 =	vld [tilespmem:s13+$0x70]  }
0x20: {  	v9 =	vmin.f32 v20, v26;
	v10 =	vmin.f32 v21, v27;
	v11 =	vld [tilespmem:s13+$0x470];
	s13 =	sor.u32 s17, s16  }
0x21: {  	v20 =	vmin.f32 v9, v4;
	v21 =	vmin.f32 v10, v5;
	v4 =	vld [tilespmem:s13+$0x400]  }
0x22: {  	v9 =	vmin.f32 v17, v23;
	v10 =	vmin.f32 v18, v24;
	v12 =	vmin.f32 v19, v25;
	v5 =	vld [tilespmem:s13+$0x410]  }
0x23: {  	v17 =	vmin.f32 v9, v2;
	v18 =	vmin.f32 v10, v3;
	v19 =	vmin.f32 v12, v6;
	v2 =	vld [tilespmem:s13+$0x420]  }
0x24: {  	v9 =	vmin.f32 v14, v22;
	v7 =	vmin.f32 v15, v7;
	v3 =	vld [tilespmem:s13+$0x430];
	v8 =	vmin.f32 v16, v8  }
0x25: {  	v14 =	vmin.f32 v9, v0;
	v15 =	vmin.f32 v7, v1;
	v6 =	vld [tilespmem:s13+$0x440];
	v16 =	vmin.f32 v8, v11  }
0x26: {  	v0 =	vld [tilespmem:s13+$0x450]  }
0x27: {  	v1 =	vld [tilespmem:s13+$0x460]  }
0x28: {  	v26 =	vld [tilespmem:s13+$0x0]  }
.Ltmp0:
0x29: {  	v27 =	vld [tilespmem:s13+$0x10];
	(pc) =	sbr.rel @p0 .LBB2_2-.Ltmp0, $4  }
0x2a: {  	v23 =	vld [tilespmem:s13+$0x20]  }
0x2b: {  	v24 =	vld [tilespmem:s13+$0x30]  }
0x2c: {  	v25 =	vld [tilespmem:s13+$0x40]  }
0x2d: {  	s14 =	sadd.s32 $0x100, s14;
	v22 =	vld [tilespmem:s13+$0x50]  }
0x2e: {  	v28 =	vld [tilespmem:s13+$0x60]  }
0x2f: {  	v29 =	vld [tilespmem:s13+$0x70]  }
0x30: {  	v30 =	vld [tilespmem:s13+$0x470];
	_ =	swait.ge [sflag:s9], $0x8000;
	s14 =	simm.s32 $0x0  }
0x31: {  	[sflag:s9] =	ssyncset.done $0x0;
	s31 =	sand.u32 $0x7800, s14;
	s15 =	sand.u32 $0x380, s14  }
0x32: {  	[sflag:s9] =	ssyncadd.s32 $0xFFFF8000;
	s13 =	sor.u32 s15, s31  }
0x33: {  	v11 =	vld [tilespmem:s13+$0x8400]  }
0x34: {  	v13 =	vld [tilespmem:s13+$0x8410]  }
0x35: {  	v9 =	vld [tilespmem:s13+$0x8420]  }
0x36: {  	v10 =	vld [tilespmem:s13+$0x8430]  }
0x37: {  	v12 =	vld [tilespmem:s13+$0x8440]  }
0x38: {  	v8 =	vld [tilespmem:s13+$0x8450]  }
0x39: {  	v7 =	vld [tilespmem:s13+$0x8460]  }
0x3a: {  	v26 =	vmin.f32 v20, v26;
	v21 =	vmin.f32 v21, v27;
	v20 =	vld [tilespmem:s13+$0x8000]  }
0x3b: {  	v4 =	vmin.f32 v26, v4;
	v5 =	vmin.f32 v21, v5;
	v21 =	vld [tilespmem:s13+$0x8010]  }
0x3c: {  	v17 =	vmin.f32 v17, v23;
	v23 =	vmin.f32 v18, v24;
	v19 =	vmin.f32 v19, v25;
	v18 =	vld [tilespmem:s13+$0x8020]  }
0x3d: {  	v17 =	vmin.f32 v17, v2;
	v3 =	vmin.f32 v23, v3;
	v2 =	vmin.f32 v19, v6;
	v19 =	vld [tilespmem:s13+$0x8030]  }
0x3e: {  	v6 =	vmin.f32 v14, v22;
	v14 =	vmin.f32 v15, v28;
	v16 =	vmin.f32 v16, v29;
	v15 =	vld [tilespmem:s13+$0x8040]  }
0x3f: {  	s15 =	simm.s32 $0x100;
	v6 =	vmin.f32 v6, v0;
	v1 =	vmin.f32 v14, v1;
	v0 =	vmin.f32 v16, v30;
	v14 =	vld [tilespmem:s13+$0x8050]  }
.LBB2_4:
0x40: {  	p0 =	sne.s32 s15, $0x7F00;
	v16 =	vld [tilespmem:s13+$0x8060];
	s14 =	sadd.s32 $0x80, s14  }
0x41: {  	s16 =	sand.u32 $0x7800, s15;
	s17 =	sand.u32 $0x380, s14;
	v22 =	vld [tilespmem:s13+$0x8070]  }
0x42: {  	v4 =	vmin.f32 v4, v20;
	v5 =	vmin.f32 v5, v21;
	v20 =	vld [tilespmem:s13+$0x8470];
	s13 =	sor.u32 s17, s16  }
0x43: {  	v4 =	vmin.f32 v4, v11;
	v5 =	vmin.f32 v5, v13;
	v11 =	vld [tilespmem:s13+$0x8400]  }
0x44: {  	v17 =	vmin.f32 v17, v18;
	v3 =	vmin.f32 v3, v19;
	v2 =	vmin.f32 v2, v15;
	v13 =	vld [tilespmem:s13+$0x8410]  }
0x45: {  	v17 =	vmin.f32 v17, v9;
	v3 =	vmin.f32 v3, v10;
	v2 =	vmin.f32 v2, v12;
	v9 =	vld [tilespmem:s13+$0x8420]  }
0x46: {  	v6 =	vmin.f32 v6, v14;
	v1 =	vmin.f32 v1, v16;
	v10 =	vld [tilespmem:s13+$0x8430];
	v0 =	vmin.f32 v0, v22  }
0x47: {  	v6 =	vmin.f32 v6, v8;
	v1 =	vmin.f32 v1, v7;
	v12 =	vld [tilespmem:s13+$0x8440];
	v0 =	vmin.f32 v0, v20  }
0x48: {  	v8 =	vld [tilespmem:s13+$0x8450]  }
0x49: {  	v7 =	vld [tilespmem:s13+$0x8460]  }
0x4a: {  	v20 =	vld [tilespmem:s13+$0x8000]  }
.Ltmp1:
0x4b: {  	v21 =	vld [tilespmem:s13+$0x8010];
	(pc) =	sbr.rel @p0 .LBB2_4-.Ltmp1, $4  }
0x4c: {  	v18 =	vld [tilespmem:s13+$0x8020]  }
0x4d: {  	v19 =	vld [tilespmem:s13+$0x8030]  }
0x4e: {  	v15 =	vld [tilespmem:s13+$0x8040]  }
0x4f: {  	s15 =	sadd.s32 $0x100, s15;
	v14 =	vld [tilespmem:s13+$0x8050]  }
0x50: {  	v16 =	vld [tilespmem:s13+$0x8060];
	v4 =	vmin.f32 v4, v20;
	v5 =	vmin.f32 v5, v21  }
0x51: {  	v59 =	vld [tilespmem:s13+$0x8070];
	v4 =	vmin.f32 v4, v11;
	v5 =	vmin.f32 v5, v13;
	v60 =	vmin.f32 v17, v18  }
0x52: {  	v61 =	vld [tilespmem:s13+$0x8470];
	v3 =	vmin.f32 v3, v19;
	v9 =	vmin.f32 v60, v9;
	v4 =	vmin.f32 v4, v5  }
0x53: {  	v2 =	vmin.f32 v2, v15;
	v3 =	vmin.f32 v3, v10;
	v4 =	vmin.f32 v4, v9  }
0x54: {  	v2 =	vmin.f32 v2, v12;
	v62 =	vmin.f32 v6, v14;
	v3 =	vmin.f32 v4, v3  }
0x55: {  	v1 =	vmin.f32 v1, v16;
	v63 =	vmin.f32 v62, v8;
	v2 =	vmin.f32 v3, v2  }
0x56: {  	v0 =	vmin.f32 v0, v59;
	v1 =	vmin.f32 v1, v7;
	v2 =	vmin.f32 v2, v63  }
0x57: {  	s12 =	sadd.s32 $0x1, s12;
	v0 =	vmin.f32 v0, v61;
	v1 =	vmin.f32 v2, v1  }
0x58: {  	p0 =	sne.s32 s12, s6;
	v0 =	vmin.f32 v1, v0  }
.Ltmp2:
0x59: {  	[tilespmem:$0x10000] =	vst v0;
	(pc) =	sbr.rel @p0 .LBB2_1-.Ltmp2, $4  }
0x5a: {  	[hbm4b:s5+s2] =	stream.linear.scatter [tilespmem:s10], [sflag:$0x3], $0x80, $0x38;
	[tilespmem:$0x10080] =	vst v63  }
0x5b: {  	_ =	swait.ge [sflag:s11], $0x80  }
0x5c: {  	[sflag:s11] =	ssyncset.done $0x0  }
0x5d: {  	[sflag:s11] =	ssyncadd.s32 $0xFFFFFF80  }
0x5e: {  	_ =	sfence.sel $0x180000  }
0x5f: {  	[bflag:$0x0] =	sbarrier.arrive $0xFFFF  }
0x60: {  	p0 =	sne.s32 s0, $0x0;
	_ =	strace $0x90000047  }
0x61: {  	s0 =	sadd.s32 @!p0 $0x100000, s1;
	[bflag:$0x2] =	sbarrier.arrive $0xFFFF  }
0x62: {  	[sflag:s0] =	ssyncadd.tile.s32 @!p0 $0x1;
	_ =	shalt  }
.Lfunc_end2:
_tile_overlayer_lowered:
.L_overlay_start_2:
0x63: {  	(tag) =	ssettag $0x2  }
0x64: {  	s0 =	rddreg [dreg:$0x0];
	s2 =	stileid.u32  }
0x65: {  	s1 =	rddreg [dreg:$0x1];
	p0 =	sne.s32 s2, $0x0  }
0x66: {  	s3 =	rddreg [dreg:$0x2];
	[bflag:$0x3] =	sbarrier.arrive $0xFFFF;
	s2 =	simm.s32 @!p0 $0x1C04  }
0x67: {  	[timem:s3], [sflag:s2] =	dma.local @!p0 [hbm:s0], s1  }
0x68: {  	s0 =	simm.s32 @!p0 $0x4  }
0x69: {  	_ =	swait.ge @!p0 [sflag:s0], s1  }
0x6a: {  	s1 =	ssub.s32 @!p0 $0x0, s1;
	[sflag:s0] =	ssyncset.done @!p0 $0x0  }
0x6b: {  	[sflag:s0] =	ssyncadd.s32 @!p0 s1  }
0x6c: {  	[bflag:$0x3] =	sbarrier.arrive $0xFFFF  }
0x6d: {  	_ =	shalt  }

</sc_bundles>
